<compile_context>
chip_gen: v7x
topology: tpu7x:2x2x1
jax: 0.10.2.dev20260603
libtpu: 0.0.44.dev20260713+nightly
codegen_flags: <defaults>
</compile_context>

<pallas_src>
import functools

import jax
import jax.numpy as jnp
from jax import lax
from jax.experimental import pallas as pl
from jax.experimental.pallas import tpu as pltpu
from jax.experimental.pallas import tpu_sc as plsc

N = 8192
SC_ROWS = 1024
BR = 256

_info = plsc.get_sparse_core_info()
_NC, _NS, _L = _info.num_cores, _info.num_subcores, _info.num_lanes
_NW = _NC * _NS
_RPW = SC_ROWS // _NW
_RC = 8

_mesh = plsc.VectorSubcoreMesh(core_axis_name="c", subcore_axis_name="s")


@functools.partial(
    pl.kernel,
    mesh=_mesh,
    out_type=jax.ShapeDtypeStruct((SC_ROWS, N), jnp.float32),
    scratch_types=[
        pltpu.VMEM((N,), jnp.float32),
        pltpu.VMEM((_RC, N), jnp.float32),
    ],
)
def _bt_sc(abil_hbm, out_hbm, abil_v, buf_v):
    wid = lax.axis_index("s") * _NC + lax.axis_index("c")
    pltpu.sync_copy(abil_hbm, abil_v)
    base = wid * _RPW

    def group_body(g, _):
        row0 = base + g * _L
        rv = abil_v[pl.ds(row0, _L)]
        for half in range(_L // _RC):
            bs = [jnp.full((_L,), rv[half * _RC + rr], jnp.float32)
                  for rr in range(_RC)]

            def jbody(j, _, bs=bs):
                v = abil_v[pl.ds(j * _L, _L)]
                for rr in range(_RC):
                    buf_v[rr, pl.ds(j * _L, _L)] = (
                        1.0 / (1.0 + jnp.exp(v - bs[rr])))
                return 0

            lax.fori_loop(0, N // _L, jbody, 0, unroll=2)
            pltpu.sync_copy(buf_v, out_hbm.at[pl.ds(row0 + half * _RC, _RC)])
        return 0

    lax.fori_loop(0, _RPW // _L, group_body, 0)


def _bt_tc_block(a_rows_ref, a_cols_ref, out_ref):
    nd = a_cols_ref[...] - a_rows_ref[...]
    out_ref[...] = 1.0 / (1.0 + jnp.exp(nd))


def _bt_tc(ability):
    a_rows = ability.reshape(N, 1)
    a_cols = ability.reshape(1, N)
    return pl.pallas_call(
        _bt_tc_block,
        grid=((N - SC_ROWS) // BR,),
        in_specs=[
            pl.BlockSpec((BR, 1), lambda i: (i + SC_ROWS // BR, 0)),
            pl.BlockSpec((1, N), lambda i: (0, 0)),
        ],
        out_specs=pl.BlockSpec((BR, N), lambda i: (i, 0)),
        out_shape=jax.ShapeDtypeStruct((N - SC_ROWS, N), jnp.float32),
    )(a_rows, a_cols)


def kernel(ability):
    sc_part = _bt_sc(ability)
    tc_part = _bt_tc(ability)
    return jnp.concatenate([sc_part, tc_part], axis=0)

# --- scband reference (transcript-rebuilt; emitter-appended) ---
"""Pipeline reference for scband-bradley-terry-79671643341066 (READ-ONLY COPY).

The authoritative reference and input builder live on the scoring server;
editing this copy changes nothing except your own understanding.
"""

import jax, jax.numpy as jnp
import numpy as np

N_SUBJECTS = 8192

def setup_inputs(seed: int = 0) -> dict:
    key = jax.random.key(seed)
    # Learned parameter: ability vector theta of shape (n_subjects,).
    # (Original init is zeros, but zeros gives a degenerate all-0.5 output;
    #  use a realistic trained-state draw.)
    ability = jax.random.normal(key, (N_SUBJECTS,), dtype=jnp.float32)
    return {"ability": ability}

def reference(ability):
    # BradleyTerry.forward() -> predict():
    # diff[i, j] = theta_i - theta_j; P(i beats j) = sigmoid(diff)
    diff = ability[:, None] - ability[None, :]
    return jax.nn.sigmoid(diff)

if __name__ == "__main__":
    import jax
    _d = setup_inputs()
    print(jax.jit(kernel)(*tuple(_d.values())))

</pallas_src>

<mosaic_0001>
#map = affine_map<(d0, d1) -> (0)>
#map1 = affine_map<(d0, d1) -> (0, 0)>
module attributes {stable_mosaic.version = 14 : i64} {
  func.func @_bt_sc(%arg0: i32, %arg1: i32, %arg2: memref<8192xf32, #tpu.memory_space<hbm>>, %arg3: memref<1024x8192xf32, #tpu.memory_space<hbm>>, %arg4: memref<8192xf32, #tpu.memory_space<vmem>>, %arg5: memref<8x8192xf32, #tpu.memory_space<vmem>>) attributes {dimension_semantics = [#tpu.dimension_semantics<core_parallel>, #tpu.dimension_semantics<subcore_parallel>], iteration_bounds = array<i64: 2, 16>, scalar_prefetch = 0 : i64, scratch_operands = 2 : i64, tpu.core_type = #tpu.core_type<sc_vector_subcore>, window_params = [{transform_indices = #map}, {transform_indices = #map1}]} {
    %mul3A = arith.constant 2 : i32
    %mul3A_0 = arith.muli %arg1, %mul3A : i32
    %add3A = arith.addi %mul3A_0, %arg0 : i32
    "tpu.region"() ({
      %run_scoped3A = tpu.sem_alloc : memref<!tpu.dma_semaphore, #tpu.memory_space<semaphore_mem>>
      tpu.enqueue_dma source(%arg2 : memref<8192xf32, #tpu.memory_space<hbm>>) target(%arg4 : memref<8192xf32, #tpu.memory_space<vmem>>) target_semaphore(%run_scoped3A : memref<!tpu.dma_semaphore, #tpu.memory_space<semaphore_mem>>)
      tpu.wait_dma2 semaphore(%run_scoped3A : memref<!tpu.dma_semaphore, #tpu.memory_space<semaphore_mem>>) src(%arg2 : memref<8192xf32, #tpu.memory_space<hbm>>) dst(%arg4 : memref<8192xf32, #tpu.memory_space<vmem>>)
      tpu.yield
    }) : () -> ()
    %mul3A_1 = arith.constant 32 : i32
    %mul3A_2 = arith.muli %add3A, %mul3A_1 : i32
    %scan3A = arith.constant 0 : i32
    %scan3A_3 = arith.constant 0 : i32
    %scan3A_4 = arith.constant 2 : i32
    %scan3A_5 = arith.addi %scan3A_3, %scan3A_4 : i32
    %scan3A_6 = arith.constant 1 : i32
    %scan3A_7 = scf.for %scan3A_9 = %scan3A_3 to %scan3A_5 step %scan3A_6 iter_args(%scan3A_10 = %scan3A) -> (i32)  : i32 {
      %mul3A_11 = arith.constant 16 : i32
      %mul3A_12 = arith.muli %scan3A_9, %mul3A_11 : i32
      %add3A_13 = arith.addi %mul3A_2, %mul3A_12 : i32
      %get3A = arith.index_cast %add3A_13 : i32 to index
      %get3A_14 = tpu.vector_load %arg4[%get3A] {strides = array<i32>} : memref<8192xf32, #tpu.memory_space<vmem>>, vector<16xf32>,
      %get3A_15 = vector.shape_cast %get3A_14 : vector<16xf32> to vector<16xf32>
      %slice3A = vector.extract_strided_slice %get3A_15 {offsets = [0], sizes = [1], strides = [1]} : vector<16xf32> to vector<1xf32>
      %squeeze3A = vector.extract %slice3A[0] : f32 from vector<1xf32>
      %broadcast_in_dim3A = vector.broadcast %squeeze3A : f32 to vector<16xf32>
      %slice3A_16 = vector.extract_strided_slice %get3A_15 {offsets = [1], sizes = [1], strides = [1]} : vector<16xf32> to vector<1xf32>
      %squeeze3A_17 = vector.extract %slice3A_16[0] : f32 from vector<1xf32>
      %broadcast_in_dim3A_18 = vector.broadcast %squeeze3A_17 : f32 to vector<16xf32>
      %slice3A_19 = vector.extract_strided_slice %get3A_15 {offsets = [2], sizes = [1], strides = [1]} : vector<16xf32> to vector<1xf32>
      %squeeze3A_20 = vector.extract %slice3A_19[0] : f32 from vector<1xf32>
      %broadcast_in_dim3A_21 = vector.broadcast %squeeze3A_20 : f32 to vector<16xf32>
      %slice3A_22 = vector.extract_strided_slice %get3A_15 {offsets = [3], sizes = [1], strides = [1]} : vector<16xf32> to vector<1xf32>
      %squeeze3A_23 = vector.extract %slice3A_22[0] : f32 from vector<1xf32>
      %broadcast_in_dim3A_24 = vector.broadcast %squeeze3A_23 : f32 to vector<16xf32>
      %slice3A_25 = vector.extract_strided_slice %get3A_15 {offsets = [4], sizes = [1], strides = [1]} : vector<16xf32> to vector<1xf32>
      %squeeze3A_26 = vector.extract %slice3A_25[0] : f32 from vector<1xf32>
      %broadcast_in_dim3A_27 = vector.broadcast %squeeze3A_26 : f32 to vector<16xf32>
      %slice3A_28 = vector.extract_strided_slice %get3A_15 {offsets = [5], sizes = [1], strides = [1]} : vector<16xf32> to vector<1xf32>
      %squeeze3A_29 = vector.extract %slice3A_28[0] : f32 from vector<1xf32>
      %broadcast_in_dim3A_30 = vector.broadcast %squeeze3A_29 : f32 to vector<16xf32>
      %slice3A_31 = vector.extract_strided_slice %get3A_15 {offsets = [6], sizes = [1], strides = [1]} : vector<16xf32> to vector<1xf32>
      %squeeze3A_32 = vector.extract %slice3A_31[0] : f32 from vector<1xf32>
      %broadcast_in_dim3A_33 = vector.broadcast %squeeze3A_32 : f32 to vector<16xf32>
      %slice3A_34 = vector.extract_strided_slice %get3A_15 {offsets = [7], sizes = [1], strides = [1]} : vector<16xf32> to vector<1xf32>
      %squeeze3A_35 = vector.extract %slice3A_34[0] : f32 from vector<1xf32>
      %broadcast_in_dim3A_36 = vector.broadcast %squeeze3A_35 : f32 to vector<16xf32>
      %scan3A_37 = arith.constant 0 : i32
      %scan3A_38 = arith.constant 0 : i32
      %scan3A_39 = arith.constant 512 : i32
      %scan3A_40 = arith.addi %scan3A_38, %scan3A_39 : i32
      %scan3A_41 = arith.constant 2 : i32
      %scan3A_42 = scf.for %scan3A_80 = %scan3A_38 to %scan3A_40 step %scan3A_41 iter_args(%scan3A_81 = %scan3A_37) -> (i32)  : i32 {
        %mul3A_82 = arith.constant 16 : i32
        %mul3A_83 = arith.muli %scan3A_80, %mul3A_82 : i32
        %get3A_84 = arith.index_cast %mul3A_83 : i32 to index
        %get3A_85 = tpu.vector_load %arg4[%get3A_84] {strides = array<i32>} : memref<8192xf32, #tpu.memory_space<vmem>>, vector<16xf32>,
        %get3A_86 = vector.shape_cast %get3A_85 : vector<16xf32> to vector<16xf32>
        %sub3A = arith.subf %get3A_86, %broadcast_in_dim3A : vector<16xf32>
        %exp3A = math.exp %sub3A : vector<16xf32>
        %add3A_87 = arith.constant 1.000000e+00 : f32
        %add3A_88 = vector.broadcast %add3A_87 : f32 to vector<16xf32>
        %add3A_89 = arith.addf %add3A_88, %exp3A : vector<16xf32>
        %div3A = arith.constant 1.000000e+00 : f32
        %div3A_90 = vector.broadcast %div3A : f32 to vector<16xf32>
        %div3A_91 = arith.divf %div3A_90, %add3A_89 : vector<16xf32>
        %mul3A_92 = arith.constant 16 : i32
        %mul3A_93 = arith.muli %scan3A_80, %mul3A_92 : i32
        %swap3A = arith.constant 0 : i32
        %swap3A_94 = arith.index_cast %swap3A : i32 to index
        %swap3A_95 = arith.index_cast %mul3A_93 : i32 to index
        %swap3A_96 = tpu.vector_load %arg5[%swap3A_94, %swap3A_95] {strides = array<i32>} : memref<8x8192xf32, #tpu.memory_space<vmem>>, vector<1x16xf32>,
        %swap3A_97 = vector.shape_cast %swap3A_96 : vector<1x16xf32> to vector<16xf32>
        %swap3A_98 = vector.shape_cast %div3A_91 : vector<16xf32> to vector<1x16xf32>
        tpu.vector_store %arg5[%swap3A_94, %swap3A_95], %swap3A_98 {strides = array<i32>} : memref<8x8192xf32, #tpu.memory_space<vmem>>, vector<1x16xf32>,
        %sub3A_99 = arith.subf %get3A_86, %broadcast_in_dim3A_18 : vector<16xf32>
        %exp3A_100 = math.exp %sub3A_99 : vector<16xf32>
        %add3A_101 = arith.constant 1.000000e+00 : f32
        %add3A_102 = vector.broadcast %add3A_101 : f32 to vector<16xf32>
        %add3A_103 = arith.addf %add3A_102, %exp3A_100 : vector<16xf32>
        %div3A_104 = arith.constant 1.000000e+00 : f32
        %div3A_105 = vector.broadcast %div3A_104 : f32 to vector<16xf32>
        %div3A_106 = arith.divf %div3A_105, %add3A_103 : vector<16xf32>
        %mul3A_107 = arith.constant 16 : i32
        %mul3A_108 = arith.muli %scan3A_80, %mul3A_107 : i32
        %swap3A_109 = arith.constant 1 : i32
        %swap3A_110 = arith.index_cast %swap3A_109 : i32 to index
        %swap3A_111 = arith.index_cast %mul3A_108 : i32 to index
        %swap3A_112 = tpu.vector_load %arg5[%swap3A_110, %swap3A_111] {strides = array<i32>} : memref<8x8192xf32, #tpu.memory_space<vmem>>, vector<1x16xf32>,
        %swap3A_113 = vector.shape_cast %swap3A_112 : vector<1x16xf32> to vector<16xf32>
        %swap3A_114 = vector.shape_cast %div3A_106 : vector<16xf32> to vector<1x16xf32>
        tpu.vector_store %arg5[%swap3A_110, %swap3A_111], %swap3A_114 {strides = array<i32>} : memref<8x8192xf32, #tpu.memory_space<vmem>>, vector<1x16xf32>,
        %sub3A_115 = arith.subf %get3A_86, %broadcast_in_dim3A_21 : vector<16xf32>
        %exp3A_116 = math.exp %sub3A_115 : vector<16xf32>
        %add3A_117 = arith.constant 1.000000e+00 : f32
        %add3A_118 = vector.broadcast %add3A_117 : f32 to vector<16xf32>
        %add3A_119 = arith.addf %add3A_118, %exp3A_116 : vector<16xf32>
        %div3A_120 = arith.constant 1.000000e+00 : f32
        %div3A_121 = vector.broadcast %div3A_120 : f32 to vector<16xf32>
        %div3A_122 = arith.divf %div3A_121, %add3A_119 : vector<16xf32>
        %mul3A_123 = arith.constant 16 : i32
        %mul3A_124 = arith.muli %scan3A_80, %mul3A_123 : i32
        %swap3A_125 = arith.constant 2 : i32
        %swap3A_126 = arith.index_cast %swap3A_125 : i32 to index
        %swap3A_127 = arith.index_cast %mul3A_124 : i32 to index
        %swap3A_128 = tpu.vector_load %arg5[%swap3A_126, %swap3A_127] {strides = array<i32>} : memref<8x8192xf32, #tpu.memory_space<vmem>>, vector<1x16xf32>,
        %swap3A_129 = vector.shape_cast %swap3A_128 : vector<1x16xf32> to vector<16xf32>
        %swap3A_130 = vector.shape_cast %div3A_122 : vector<16xf32> to vector<1x16xf32>
        tpu.vector_store %arg5[%swap3A_126, %swap3A_127], %swap3A_130 {strides = array<i32>} : memref<8x8192xf32, #tpu.memory_space<vmem>>, vector<1x16xf32>,
        %sub3A_131 = arith.subf %get3A_86, %broadcast_in_dim3A_24 : vector<16xf32>
        %exp3A_132 = math.exp %sub3A_131 : vector<16xf32>
        %add3A_133 = arith.constant 1.000000e+00 : f32
        %add3A_134 = vector.broadcast %add3A_133 : f32 to vector<16xf32>
        %add3A_135 = arith.addf %add3A_134, %exp3A_132 : vector<16xf32>
        %div3A_136 = arith.constant 1.000000e+00 : f32
        %div3A_137 = vector.broadcast %div3A_136 : f32 to vector<16xf32>
        %div3A_138 = arith.divf %div3A_137, %add3A_135 : vector<16xf32>
        %mul3A_139 = arith.constant 16 : i32
        %mul3A_140 = arith.muli %scan3A_80, %mul3A_139 : i32
        %swap3A_141 = arith.constant 3 : i32
        %swap3A_142 = arith.index_cast %swap3A_141 : i32 to index
        %swap3A_143 = arith.index_cast %mul3A_140 : i32 to index
        %swap3A_144 = tpu.vector_load %arg5[%swap3A_142, %swap3A_143] {strides = array<i32>} : memref<8x8192xf32, #tpu.memory_space<vmem>>, vector<1x16xf32>,
        %swap3A_145 = vector.shape_cast %swap3A_144 : vector<1x16xf32> to vector<16xf32>
        %swap3A_146 = vector.shape_cast %div3A_138 : vector<16xf32> to vector<1x16xf32>
        tpu.vector_store %arg5[%swap3A_142, %swap3A_143], %swap3A_146 {strides = array<i32>} : memref<8x8192xf32, #tpu.memory_space<vmem>>, vector<1x16xf32>,
        %sub3A_147 = arith.subf %get3A_86, %broadcast_in_dim3A_27 : vector<16xf32>
        %exp3A_148 = math.exp %sub3A_147 : vector<16xf32>
        %add3A_149 = arith.constant 1.000000e+00 : f32
        %add3A_150 = vector.broadcast %add3A_149 : f32 to vector<16xf32>
        %add3A_151 = arith.addf %add3A_150, %exp3A_148 : vector<16xf32>
        %div3A_152 = arith.constant 1.000000e+00 : f32
        %div3A_153 = vector.broadcast %div3A_152 : f32 to vector<16xf32>
        %div3A_154 = arith.divf %div3A_153, %add3A_151 : vector<16xf32>
        %mul3A_155 = arith.constant 16 : i32
        %mul3A_156 = arith.muli %scan3A_80, %mul3A_155 : i32
        %swap3A_157 = arith.constant 4 : i32
        %swap3A_158 = arith.index_cast %swap3A_157 : i32 to index
        %swap3A_159 = arith.index_cast %mul3A_156 : i32 to index
        %swap3A_160 = tpu.vector_load %arg5[%swap3A_158, %swap3A_159] {strides = array<i32>} : memref<8x8192xf32, #tpu.memory_space<vmem>>, vector<1x16xf32>,
        %swap3A_161 = vector.shape_cast %swap3A_160 : vector<1x16xf32> to vector<16xf32>
        %swap3A_162 = vector.shape_cast %div3A_154 : vector<16xf32> to vector<1x16xf32>
        tpu.vector_store %arg5[%swap3A_158, %swap3A_159], %swap3A_162 {strides = array<i32>} : memref<8x8192xf32, #tpu.memory_space<vmem>>, vector<1x16xf32>,
        %sub3A_163 = arith.subf %get3A_86, %broadcast_in_dim3A_30 : vector<16xf32>
        %exp3A_164 = math.exp %sub3A_163 : vector<16xf32>
        %add3A_165 = arith.constant 1.000000e+00 : f32
        %add3A_166 = vector.broadcast %add3A_165 : f32 to vector<16xf32>
        %add3A_167 = arith.addf %add3A_166, %exp3A_164 : vector<16xf32>
        %div3A_168 = arith.constant 1.000000e+00 : f32
        %div3A_169 = vector.broadcast %div3A_168 : f32 to vector<16xf32>
        %div3A_170 = arith.divf %div3A_169, %add3A_167 : vector<16xf32>
        %mul3A_171 = arith.constant 16 : i32
        %mul3A_172 = arith.muli %scan3A_80, %mul3A_171 : i32
        %swap3A_173 = arith.constant 5 : i32
        %swap3A_174 = arith.index_cast %swap3A_173 : i32 to index
        %swap3A_175 = arith.index_cast %mul3A_172 : i32 to index
        %swap3A_176 = tpu.vector_load %arg5[%swap3A_174, %swap3A_175] {strides = array<i32>} : memref<8x8192xf32, #tpu.memory_space<vmem>>, vector<1x16xf32>,
        %swap3A_177 = vector.shape_cast %swap3A_176 : vector<1x16xf32> to vector<16xf32>
        %swap3A_178 = vector.shape_cast %div3A_170 : vector<16xf32> to vector<1x16xf32>
        tpu.vector_store %arg5[%swap3A_174, %swap3A_175], %swap3A_178 {strides = array<i32>} : memref<8x8192xf32, #tpu.memory_space<vmem>>, vector<1x16xf32>,
        %sub3A_179 = arith.subf %get3A_86, %broadcast_in_dim3A_33 : vector<16xf32>
        %exp3A_180 = math.exp %sub3A_179 : vector<16xf32>
        %add3A_181 = arith.constant 1.000000e+00 : f32
        %add3A_182 = vector.broadcast %add3A_181 : f32 to vector<16xf32>
        %add3A_183 = arith.addf %add3A_182, %exp3A_180 : vector<16xf32>
        %div3A_184 = arith.constant 1.000000e+00 : f32
        %div3A_185 = vector.broadcast %div3A_184 : f32 to vector<16xf32>
        %div3A_186 = arith.divf %div3A_185, %add3A_183 : vector<16xf32>
        %mul3A_187 = arith.constant 16 : i32
        %mul3A_188 = arith.muli %scan3A_80, %mul3A_187 : i32
        %swap3A_189 = arith.constant 6 : i32
        %swap3A_190 = arith.index_cast %swap3A_189 : i32 to index
        %swap3A_191 = arith.index_cast %mul3A_188 : i32 to index
        %swap3A_192 = tpu.vector_load %arg5[%swap3A_190, %swap3A_191] {strides = array<i32>} : memref<8x8192xf32, #tpu.memory_space<vmem>>, vector<1x16xf32>,
        %swap3A_193 = vector.shape_cast %swap3A_192 : vector<1x16xf32> to vector<16xf32>
        %swap3A_194 = vector.shape_cast %div3A_186 : vector<16xf32> to vector<1x16xf32>
        tpu.vector_store %arg5[%swap3A_190, %swap3A_191], %swap3A_194 {strides = array<i32>} : memref<8x8192xf32, #tpu.memory_space<vmem>>, vector<1x16xf32>,
        %sub3A_195 = arith.subf %get3A_86, %broadcast_in_dim3A_36 : vector<16xf32>
        %exp3A_196 = math.exp %sub3A_195 : vector<16xf32>
        %add3A_197 = arith.constant 1.000000e+00 : f32
        %add3A_198 = vector.broadcast %add3A_197 : f32 to vector<16xf32>
        %add3A_199 = arith.addf %add3A_198, %exp3A_196 : vector<16xf32>
        %div3A_200 = arith.constant 1.000000e+00 : f32
        %div3A_201 = vector.broadcast %div3A_200 : f32 to vector<16xf32>
        %div3A_202 = arith.divf %div3A_201, %add3A_199 : vector<16xf32>
        %mul3A_203 = arith.constant 16 : i32
        %mul3A_204 = arith.muli %scan3A_80, %mul3A_203 : i32
        %swap3A_205 = arith.constant 7 : i32
        %swap3A_206 = arith.index_cast %swap3A_205 : i32 to index
        %swap3A_207 = arith.index_cast %mul3A_204 : i32 to index
        %swap3A_208 = tpu.vector_load %arg5[%swap3A_206, %swap3A_207] {strides = array<i32>} : memref<8x8192xf32, #tpu.memory_space<vmem>>, vector<1x16xf32>,
        %swap3A_209 = vector.shape_cast %swap3A_208 : vector<1x16xf32> to vector<16xf32>
        %swap3A_210 = vector.shape_cast %div3A_202 : vector<16xf32> to vector<1x16xf32>
        tpu.vector_store %arg5[%swap3A_206, %swap3A_207], %swap3A_210 {strides = array<i32>} : memref<8x8192xf32, #tpu.memory_space<vmem>>, vector<1x16xf32>,
        %scan3A_211 = arith.constant 0 : i32
        %scan3A_212 = arith.constant 1 : i32
        %scan3A_213 = arith.addi %scan3A_80, %scan3A_212 : i32
        %mul3A_214 = arith.constant 16 : i32
        %mul3A_215 = arith.muli %scan3A_213, %mul3A_214 : i32
        %get3A_216 = arith.index_cast %mul3A_215 : i32 to index
        %get3A_217 = tpu.vector_load %arg4[%get3A_216] {strides = array<i32>} : memref<8192xf32, #tpu.memory_space<vmem>>, vector<16xf32>,
        %get3A_218 = vector.shape_cast %get3A_217 : vector<16xf32> to vector<16xf32>
        %sub3A_219 = arith.subf %get3A_218, %broadcast_in_dim3A : vector<16xf32>
        %exp3A_220 = math.exp %sub3A_219 : vector<16xf32>
        %add3A_221 = arith.constant 1.000000e+00 : f32
        %add3A_222 = vector.broadcast %add3A_221 : f32 to vector<16xf32>
        %add3A_223 = arith.addf %add3A_222, %exp3A_220 : vector<16xf32>
        %div3A_224 = arith.constant 1.000000e+00 : f32
        %div3A_225 = vector.broadcast %div3A_224 : f32 to vector<16xf32>
        %div3A_226 = arith.divf %div3A_225, %add3A_223 : vector<16xf32>
        %mul3A_227 = arith.constant 16 : i32
        %mul3A_228 = arith.muli %scan3A_213, %mul3A_227 : i32
        %swap3A_229 = arith.constant 0 : i32
        %swap3A_230 = arith.index_cast %swap3A_229 : i32 to index
        %swap3A_231 = arith.index_cast %mul3A_228 : i32 to index
        %swap3A_232 = tpu.vector_load %arg5[%swap3A_230, %swap3A_231] {strides = array<i32>} : memref<8x8192xf32, #tpu.memory_space<vmem>>, vector<1x16xf32>,
        %swap3A_233 = vector.shape_cast %swap3A_232 : vector<1x16xf32> to vector<16xf32>
        %swap3A_234 = vector.shape_cast %div3A_226 : vector<16xf32> to vector<1x16xf32>
        tpu.vector_store %arg5[%swap3A_230, %swap3A_231], %swap3A_234 {strides = array<i32>} : memref<8x8192xf32, #tpu.memory_space<vmem>>, vector<1x16xf32>,
        %sub3A_235 = arith.subf %get3A_218, %broadcast_in_dim3A_18 : vector<16xf32>
        %exp3A_236 = math.exp %sub3A_235 : vector<16xf32>
        %add3A_237 = arith.constant 1.000000e+00 : f32
        %add3A_238 = vector.broadcast %add3A_237 : f32 to vector<16xf32>
        %add3A_239 = arith.addf %add3A_238, %exp3A_236 : vector<16xf32>
        %div3A_240 = arith.constant 1.000000e+00 : f32
        %div3A_241 = vector.broadcast %div3A_240 : f32 to vector<16xf32>
        %div3A_242 = arith.divf %div3A_241, %add3A_239 : vector<16xf32>
        %mul3A_243 = arith.constant 16 : i32
        %mul3A_244 = arith.muli %scan3A_213, %mul3A_243 : i32
        %swap3A_245 = arith.constant 1 : i32
        %swap3A_246 = arith.index_cast %swap3A_245 : i32 to index
        %swap3A_247 = arith.index_cast %mul3A_244 : i32 to index
        %swap3A_248 = tpu.vector_load %arg5[%swap3A_246, %swap3A_247] {strides = array<i32>} : memref<8x8192xf32, #tpu.memory_space<vmem>>, vector<1x16xf32>,
        %swap3A_249 = vector.shape_cast %swap3A_248 : vector<1x16xf32> to vector<16xf32>
        %swap3A_250 = vector.shape_cast %div3A_242 : vector<16xf32> to vector<1x16xf32>
        tpu.vector_store %arg5[%swap3A_246, %swap3A_247], %swap3A_250 {strides = array<i32>} : memref<8x8192xf32, #tpu.memory_space<vmem>>, vector<1x16xf32>,
        %sub3A_251 = arith.subf %get3A_218, %broadcast_in_dim3A_21 : vector<16xf32>
        %exp3A_252 = math.exp %sub3A_251 : vector<16xf32>
        %add3A_253 = arith.constant 1.000000e+00 : f32
        %add3A_254 = vector.broadcast %add3A_253 : f32 to vector<16xf32>
        %add3A_255 = arith.addf %add3A_254, %exp3A_252 : vector<16xf32>
        %div3A_256 = arith.constant 1.000000e+00 : f32
        %div3A_257 = vector.broadcast %div3A_256 : f32 to vector<16xf32>
        %div3A_258 = arith.divf %div3A_257, %add3A_255 : vector<16xf32>
        %mul3A_259 = arith.constant 16 : i32
        %mul3A_260 = arith.muli %scan3A_213, %mul3A_259 : i32
        %swap3A_261 = arith.constant 2 : i32
        %swap3A_262 = arith.index_cast %swap3A_261 : i32 to index
        %swap3A_263 = arith.index_cast %mul3A_260 : i32 to index
        %swap3A_264 = tpu.vector_load %arg5[%swap3A_262, %swap3A_263] {strides = array<i32>} : memref<8x8192xf32, #tpu.memory_space<vmem>>, vector<1x16xf32>,
        %swap3A_265 = vector.shape_cast %swap3A_264 : vector<1x16xf32> to vector<16xf32>
        %swap3A_266 = vector.shape_cast %div3A_258 : vector<16xf32> to vector<1x16xf32>
        tpu.vector_store %arg5[%swap3A_262, %swap3A_263], %swap3A_266 {strides = array<i32>} : memref<8x8192xf32, #tpu.memory_space<vmem>>, vector<1x16xf32>,
        %sub3A_267 = arith.subf %get3A_218, %broadcast_in_dim3A_24 : vector<16xf32>
        %exp3A_268 = math.exp %sub3A_267 : vector<16xf32>
        %add3A_269 = arith.constant 1.000000e+00 : f32
        %add3A_270 = vector.broadcast %add3A_269 : f32 to vector<16xf32>
        %add3A_271 = arith.addf %add3A_270, %exp3A_268 : vector<16xf32>
        %div3A_272 = arith.constant 1.000000e+00 : f32
        %div3A_273 = vector.broadcast %div3A_272 : f32 to vector<16xf32>
        %div3A_274 = arith.divf %div3A_273, %add3A_271 : vector<16xf32>
        %mul3A_275 = arith.constant 16 : i32
        %mul3A_276 = arith.muli %scan3A_213, %mul3A_275 : i32
        %swap3A_277 = arith.constant 3 : i32
        %swap3A_278 = arith.index_cast %swap3A_277 : i32 to index
        %swap3A_279 = arith.index_cast %mul3A_276 : i32 to index
        %swap3A_280 = tpu.vector_load %arg5[%swap3A_278, %swap3A_279] {strides = array<i32>} : memref<8x8192xf32, #tpu.memory_space<vmem>>, vector<1x16xf32>,
        %swap3A_281 = vector.shape_cast %swap3A_280 : vector<1x16xf32> to vector<16xf32>
        %swap3A_282 = vector.shape_cast %div3A_274 : vector<16xf32> to vector<1x16xf32>
        tpu.vector_store %arg5[%swap3A_278, %swap3A_279], %swap3A_282 {strides = array<i32>} : memref<8x8192xf32, #tpu.memory_space<vmem>>, vector<1x16xf32>,
        %sub3A_283 = arith.subf %get3A_218, %broadcast_in_dim3A_27 : vector<16xf32>
        %exp3A_284 = math.exp %sub3A_283 : vector<16xf32>
        %add3A_285 = arith.constant 1.000000e+00 : f32
        %add3A_286 = vector.broadcast %add3A_285 : f32 to vector<16xf32>
        %add3A_287 = arith.addf %add3A_286, %exp3A_284 : vector<16xf32>
        %div3A_288 = arith.constant 1.000000e+00 : f32
        %div3A_289 = vector.broadcast %div3A_288 : f32 to vector<16xf32>
        %div3A_290 = arith.divf %div3A_289, %add3A_287 : vector<16xf32>
        %mul3A_291 = arith.constant 16 : i32
        %mul3A_292 = arith.muli %scan3A_213, %mul3A_291 : i32
        %swap3A_293 = arith.constant 4 : i32
        %swap3A_294 = arith.index_cast %swap3A_293 : i32 to index
        %swap3A_295 = arith.index_cast %mul3A_292 : i32 to index
        %swap3A_296 = tpu.vector_load %arg5[%swap3A_294, %swap3A_295] {strides = array<i32>} : memref<8x8192xf32, #tpu.memory_space<vmem>>, vector<1x16xf32>,
        %swap3A_297 = vector.shape_cast %swap3A_296 : vector<1x16xf32> to vector<16xf32>
        %swap3A_298 = vector.shape_cast %div3A_290 : vector<16xf32> to vector<1x16xf32>
        tpu.vector_store %arg5[%swap3A_294, %swap3A_295], %swap3A_298 {strides = array<i32>} : memref<8x8192xf32, #tpu.memory_space<vmem>>, vector<1x16xf32>,
        %sub3A_299 = arith.subf %get3A_218, %broadcast_in_dim3A_30 : vector<16xf32>
        %exp3A_300 = math.exp %sub3A_299 : vector<16xf32>
        %add3A_301 = arith.constant 1.000000e+00 : f32
        %add3A_302 = vector.broadcast %add3A_301 : f32 to vector<16xf32>
        %add3A_303 = arith.addf %add3A_302, %exp3A_300 : vector<16xf32>
        %div3A_304 = arith.constant 1.000000e+00 : f32
        %div3A_305 = vector.broadcast %div3A_304 : f32 to vector<16xf32>
        %div3A_306 = arith.divf %div3A_305, %add3A_303 : vector<16xf32>
        %mul3A_307 = arith.constant 16 : i32
        %mul3A_308 = arith.muli %scan3A_213, %mul3A_307 : i32
        %swap3A_309 = arith.constant 5 : i32
        %swap3A_310 = arith.index_cast %swap3A_309 : i32 to index
        %swap3A_311 = arith.index_cast %mul3A_308 : i32 to index
        %swap3A_312 = tpu.vector_load %arg5[%swap3A_310, %swap3A_311] {strides = array<i32>} : memref<8x8192xf32, #tpu.memory_space<vmem>>, vector<1x16xf32>,
        %swap3A_313 = vector.shape_cast %swap3A_312 : vector<1x16xf32> to vector<16xf32>
        %swap3A_314 = vector.shape_cast %div3A_306 : vector<16xf32> to vector<1x16xf32>
        tpu.vector_store %arg5[%swap3A_310, %swap3A_311], %swap3A_314 {strides = array<i32>} : memref<8x8192xf32, #tpu.memory_space<vmem>>, vector<1x16xf32>,
        %sub3A_315 = arith.subf %get3A_218, %broadcast_in_dim3A_33 : vector<16xf32>
        %exp3A_316 = math.exp %sub3A_315 : vector<16xf32>
        %add3A_317 = arith.constant 1.000000e+00 : f32
        %add3A_318 = vector.broadcast %add3A_317 : f32 to vector<16xf32>
        %add3A_319 = arith.addf %add3A_318, %exp3A_316 : vector<16xf32>
        %div3A_320 = arith.constant 1.000000e+00 : f32
        %div3A_321 = vector.broadcast %div3A_320 : f32 to vector<16xf32>
        %div3A_322 = arith.divf %div3A_321, %add3A_319 : vector<16xf32>
        %mul3A_323 = arith.constant 16 : i32
        %mul3A_324 = arith.muli %scan3A_213, %mul3A_323 : i32
        %swap3A_325 = arith.constant 6 : i32
        %swap3A_326 = arith.index_cast %swap3A_325 : i32 to index
        %swap3A_327 = arith.index_cast %mul3A_324 : i32 to index
        %swap3A_328 = tpu.vector_load %arg5[%swap3A_326, %swap3A_327] {strides = array<i32>} : memref<8x8192xf32, #tpu.memory_space<vmem>>, vector<1x16xf32>,
        %swap3A_329 = vector.shape_cast %swap3A_328 : vector<1x16xf32> to vector<16xf32>
        %swap3A_330 = vector.shape_cast %div3A_322 : vector<16xf32> to vector<1x16xf32>
        tpu.vector_store %arg5[%swap3A_326, %swap3A_327], %swap3A_330 {strides = array<i32>} : memref<8x8192xf32, #tpu.memory_space<vmem>>, vector<1x16xf32>,
        %sub3A_331 = arith.subf %get3A_218, %broadcast_in_dim3A_36 : vector<16xf32>
        %exp3A_332 = math.exp %sub3A_331 : vector<16xf32>
        %add3A_333 = arith.constant 1.000000e+00 : f32
        %add3A_334 = vector.broadcast %add3A_333 : f32 to vector<16xf32>
        %add3A_335 = arith.addf %add3A_334, %exp3A_332 : vector<16xf32>
        %div3A_336 = arith.constant 1.000000e+00 : f32
        %div3A_337 = vector.broadcast %div3A_336 : f32 to vector<16xf32>
        %div3A_338 = arith.divf %div3A_337, %add3A_335 : vector<16xf32>
        %mul3A_339 = arith.constant 16 : i32
        %mul3A_340 = arith.muli %scan3A_213, %mul3A_339 : i32
        %swap3A_341 = arith.constant 7 : i32
        %swap3A_342 = arith.index_cast %swap3A_341 : i32 to index
        %swap3A_343 = arith.index_cast %mul3A_340 : i32 to index
        %swap3A_344 = tpu.vector_load %arg5[%swap3A_342, %swap3A_343] {strides = array<i32>} : memref<8x8192xf32, #tpu.memory_space<vmem>>, vector<1x16xf32>,
        %swap3A_345 = vector.shape_cast %swap3A_344 : vector<1x16xf32> to vector<16xf32>
        %swap3A_346 = vector.shape_cast %div3A_338 : vector<16xf32> to vector<1x16xf32>
        tpu.vector_store %arg5[%swap3A_342, %swap3A_343], %swap3A_346 {strides = array<i32>} : memref<8x8192xf32, #tpu.memory_space<vmem>>, vector<1x16xf32>,
        %scan3A_347 = arith.constant 0 : i32
        scf.yield %scan3A_347 : i32
      }
      %scan3A_43 = arith.constant 512 : i32
      %add3A_44 = arith.constant 0 : i32
      %add3A_45 = arith.addi %add3A_13, %add3A_44 : i32
      "tpu.region"() ({
        %run_scoped3A = tpu.sem_alloc : memref<!tpu.dma_semaphore, #tpu.memory_space<semaphore_mem>>
        %dma_start3A = arith.constant 0 : i32
        %dma_start3A_80 = tpu.memref_slice %arg3[%add3A_45, %dma_start3A] : memref<1024x8192xf32, #tpu.memory_space<hbm>> -> memref<8x8192xf32, #tpu.memory_space<hbm>>
        %dma_start3A_81 = arith.constant 0 : i32
        %dma_start3A_82 = tpu.memref_slice %arg3[%add3A_45, %dma_start3A_81] : memref<1024x8192xf32, #tpu.memory_space<hbm>> -> memref<8x8192xf32, #tpu.memory_space<hbm>>
        tpu.enqueue_dma source(%arg5 : memref<8x8192xf32, #tpu.memory_space<vmem>>) target(%dma_start3A_82 : memref<8x8192xf32, #tpu.memory_space<hbm>>) target_semaphore(%run_scoped3A : memref<!tpu.dma_semaphore, #tpu.memory_space<semaphore_mem>>)
        %dma_wait3A = arith.constant 0 : i32
        %dma_wait3A_83 = tpu.memref_slice %arg3[%add3A_45, %dma_wait3A] : memref<1024x8192xf32, #tpu.memory_space<hbm>> -> memref<8x8192xf32, #tpu.memory_space<hbm>>
        %dma_wait3A_84 = arith.constant 0 : i32
        %dma_wait3A_85 = tpu.memref_slice %arg3[%add3A_45, %dma_wait3A_84] : memref<1024x8192xf32, #tpu.memory_space<hbm>> -> memref<8x8192xf32, #tpu.memory_space<hbm>>
        tpu.wait_dma2 semaphore(%run_scoped3A : memref<!tpu.dma_semaphore, #tpu.memory_space<semaphore_mem>>) src(%arg5 : memref<8x8192xf32, #tpu.memory_space<vmem>>) dst(%dma_wait3A_85 : memref<8x8192xf32, #tpu.memory_space<hbm>>)
        tpu.yield
      }) : () -> ()
      %slice3A_46 = vector.extract_strided_slice %get3A_15 {offsets = [8], sizes = [1], strides = [1]} : vector<16xf32> to vector<1xf32>
      %squeeze3A_47 = vector.extract %slice3A_46[0] : f32 from vector<1xf32>
      %broadcast_in_dim3A_48 = vector.broadcast %squeeze3A_47 : f32 to vector<16xf32>
      %slice3A_49 = vector.extract_strided_slice %get3A_15 {offsets = [9], sizes = [1], strides = [1]} : vector<16xf32> to vector<1xf32>
      %squeeze3A_50 = vector.extract %slice3A_49[0] : f32 from vector<1xf32>
      %broadcast_in_dim3A_51 = vector.broadcast %squeeze3A_50 : f32 to vector<16xf32>
      %slice3A_52 = vector.extract_strided_slice %get3A_15 {offsets = [10], sizes = [1], strides = [1]} : vector<16xf32> to vector<1xf32>
      %squeeze3A_53 = vector.extract %slice3A_52[0] : f32 from vector<1xf32>
      %broadcast_in_dim3A_54 = vector.broadcast %squeeze3A_53 : f32 to vector<16xf32>
      %slice3A_55 = vector.extract_strided_slice %get3A_15 {offsets = [11], sizes = [1], strides = [1]} : vector<16xf32> to vector<1xf32>
      %squeeze3A_56 = vector.extract %slice3A_55[0] : f32 from vector<1xf32>
      %broadcast_in_dim3A_57 = vector.broadcast %squeeze3A_56 : f32 to vector<16xf32>
      %slice3A_58 = vector.extract_strided_slice %get3A_15 {offsets = [12], sizes = [1], strides = [1]} : vector<16xf32> to vector<1xf32>
      %squeeze3A_59 = vector.extract %slice3A_58[0] : f32 from vector<1xf32>
      %broadcast_in_dim3A_60 = vector.broadcast %squeeze3A_59 : f32 to vector<16xf32>
      %slice3A_61 = vector.extract_strided_slice %get3A_15 {offsets = [13], sizes = [1], strides = [1]} : vector<16xf32> to vector<1xf32>
      %squeeze3A_62 = vector.extract %slice3A_61[0] : f32 from vector<1xf32>
      %broadcast_in_dim3A_63 = vector.broadcast %squeeze3A_62 : f32 to vector<16xf32>
      %slice3A_64 = vector.extract_strided_slice %get3A_15 {offsets = [14], sizes = [1], strides = [1]} : vector<16xf32> to vector<1xf32>
      %squeeze3A_65 = vector.extract %slice3A_64[0] : f32 from vector<1xf32>
      %broadcast_in_dim3A_66 = vector.broadcast %squeeze3A_65 : f32 to vector<16xf32>
      %slice3A_67 = vector.extract_strided_slice %get3A_15 {offsets = [15], sizes = [1], strides = [1]} : vector<16xf32> to vector<1xf32>
      %squeeze3A_68 = vector.extract %slice3A_67[0] : f32 from vector<1xf32>
      %broadcast_in_dim3A_69 = vector.broadcast %squeeze3A_68 : f32 to vector<16xf32>
      %scan3A_70 = arith.constant 0 : i32
      %scan3A_71 = arith.constant 0 : i32
      %scan3A_72 = arith.constant 512 : i32
      %scan3A_73 = arith.addi %scan3A_71, %scan3A_72 : i32
      %scan3A_74 = arith.constant 2 : i32
      %scan3A_75 = scf.for %scan3A_80 = %scan3A_71 to %scan3A_73 step %scan3A_74 iter_args(%scan3A_81 = %scan3A_70) -> (i32)  : i32 {
        %mul3A_82 = arith.constant 16 : i32
        %mul3A_83 = arith.muli %scan3A_80, %mul3A_82 : i32
        %get3A_84 = arith.index_cast %mul3A_83 : i32 to index
        %get3A_85 = tpu.vector_load %arg4[%get3A_84] {strides = array<i32>} : memref<8192xf32, #tpu.memory_space<vmem>>, vector<16xf32>,
        %get3A_86 = vector.shape_cast %get3A_85 : vector<16xf32> to vector<16xf32>
        %sub3A = arith.subf %get3A_86, %broadcast_in_dim3A_48 : vector<16xf32>
        %exp3A = math.exp %sub3A : vector<16xf32>
        %add3A_87 = arith.constant 1.000000e+00 : f32
        %add3A_88 = vector.broadcast %add3A_87 : f32 to vector<16xf32>
        %add3A_89 = arith.addf %add3A_88, %exp3A : vector<16xf32>
        %div3A = arith.constant 1.000000e+00 : f32
        %div3A_90 = vector.broadcast %div3A : f32 to vector<16xf32>
        %div3A_91 = arith.divf %div3A_90, %add3A_89 : vector<16xf32>
        %mul3A_92 = arith.constant 16 : i32
        %mul3A_93 = arith.muli %scan3A_80, %mul3A_92 : i32
        %swap3A = arith.constant 0 : i32
        %swap3A_94 = arith.index_cast %swap3A : i32 to index
        %swap3A_95 = arith.index_cast %mul3A_93 : i32 to index
        %swap3A_96 = tpu.vector_load %arg5[%swap3A_94, %swap3A_95] {strides = array<i32>} : memref<8x8192xf32, #tpu.memory_space<vmem>>, vector<1x16xf32>,
        %swap3A_97 = vector.shape_cast %swap3A_96 : vector<1x16xf32> to vector<16xf32>
        %swap3A_98 = vector.shape_cast %div3A_91 : vector<16xf32> to vector<1x16xf32>
        tpu.vector_store %arg5[%swap3A_94, %swap3A_95], %swap3A_98 {strides = array<i32>} : memref<8x8192xf32, #tpu.memory_space<vmem>>, vector<1x16xf32>,
        %sub3A_99 = arith.subf %get3A_86, %broadcast_in_dim3A_51 : vector<16xf32>
        %exp3A_100 = math.exp %sub3A_99 : vector<16xf32>
        %add3A_101 = arith.constant 1.000000e+00 : f32
        %add3A_102 = vector.broadcast %add3A_101 : f32 to vector<16xf32>
        %add3A_103 = arith.addf %add3A_102, %exp3A_100 : vector<16xf32>
        %div3A_104 = arith.constant 1.000000e+00 : f32
        %div3A_105 = vector.broadcast %div3A_104 : f32 to vector<16xf32>
        %div3A_106 = arith.divf %div3A_105, %add3A_103 : vector<16xf32>
        %mul3A_107 = arith.constant 16 : i32
        %mul3A_108 = arith.muli %scan3A_80, %mul3A_107 : i32
        %swap3A_109 = arith.constant 1 : i32
        %swap3A_110 = arith.index_cast %swap3A_109 : i32 to index
        %swap3A_111 = arith.index_cast %mul3A_108 : i32 to index
        %swap3A_112 = tpu.vector_load %arg5[%swap3A_110, %swap3A_111] {strides = array<i32>} : memref<8x8192xf32, #tpu.memory_space<vmem>>, vector<1x16xf32>,
        %swap3A_113 = vector.shape_cast %swap3A_112 : vector<1x16xf32> to vector<16xf32>
        %swap3A_114 = vector.shape_cast %div3A_106 : vector<16xf32> to vector<1x16xf32>
        tpu.vector_store %arg5[%swap3A_110, %swap3A_111], %swap3A_114 {strides = array<i32>} : memref<8x8192xf32, #tpu.memory_space<vmem>>, vector<1x16xf32>,
        %sub3A_115 = arith.subf %get3A_86, %broadcast_in_dim3A_54 : vector<16xf32>
        %exp3A_116 = math.exp %sub3A_115 : vector<16xf32>
        %add3A_117 = arith.constant 1.000000e+00 : f32
        %add3A_118 = vector.broadcast %add3A_117 : f32 to vector<16xf32>
        %add3A_119 = arith.addf %add3A_118, %exp3A_116 : vector<16xf32>
        %div3A_120 = arith.constant 1.000000e+00 : f32
        %div3A_121 = vector.broadcast %div3A_120 : f32 to vector<16xf32>
        %div3A_122 = arith.divf %div3A_121, %add3A_119 : vector<16xf32>
        %mul3A_123 = arith.constant 16 : i32
        %mul3A_124 = arith.muli %scan3A_80, %mul3A_123 : i32
        %swap3A_125 = arith.constant 2 : i32
        %swap3A_126 = arith.index_cast %swap3A_125 : i32 to index
        %swap3A_127 = arith.index_cast %mul3A_124 : i32 to index
        %swap3A_128 = tpu.vector_load %arg5[%swap3A_126, %swap3A_127] {strides = array<i32>} : memref<8x8192xf32, #tpu.memory_space<vmem>>, vector<1x16xf32>,
        %swap3A_129 = vector.shape_cast %swap3A_128 : vector<1x16xf32> to vector<16xf32>
        %swap3A_130 = vector.shape_cast %div3A_122 : vector<16xf32> to vector<1x16xf32>
        tpu.vector_store %arg5[%swap3A_126, %swap3A_127], %swap3A_130 {strides = array<i32>} : memref<8x8192xf32, #tpu.memory_space<vmem>>, vector<1x16xf32>,
        %sub3A_131 = arith.subf %get3A_86, %broadcast_in_dim3A_57 : vector<16xf32>
        %exp3A_132 = math.exp %sub3A_131 : vector<16xf32>
        %add3A_133 = arith.constant 1.000000e+00 : f32
        %add3A_134 = vector.broadcast %add3A_133 : f32 to vector<16xf32>
        %add3A_135 = arith.addf %add3A_134, %exp3A_132 : vector<16xf32>
        %div3A_136 = arith.constant 1.000000e+00 : f32
        %div3A_137 = vector.broadcast %div3A_136 : f32 to vector<16xf32>
        %div3A_138 = arith.divf %div3A_137, %add3A_135 : vector<16xf32>
        %mul3A_139 = arith.constant 16 : i32
        %mul3A_140 = arith.muli %scan3A_80, %mul3A_139 : i32
        %swap3A_141 = arith.constant 3 : i32
        %swap3A_142 = arith.index_cast %swap3A_141 : i32 to index
        %swap3A_143 = arith.index_cast %mul3A_140 : i32 to index
        %swap3A_144 = tpu.vector_load %arg5[%swap3A_142, %swap3A_143] {strides = array<i32>} : memref<8x8192xf32, #tpu.memory_space<vmem>>, vector<1x16xf32>,
        %swap3A_145 = vector.shape_cast %swap3A_144 : vector<1x16xf32> to vector<16xf32>
        %swap3A_146 = vector.shape_cast %div3A_138 : vector<16xf32> to vector<1x16xf32>
        tpu.vector_store %arg5[%swap3A_142, %swap3A_143], %swap3A_146 {strides = array<i32>} : memref<8x8192xf32, #tpu.memory_space<vmem>>, vector<1x16xf32>,
        %sub3A_147 = arith.subf %get3A_86, %broadcast_in_dim3A_60 : vector<16xf32>
        %exp3A_148 = math.exp %sub3A_147 : vector<16xf32>
        %add3A_149 = arith.constant 1.000000e+00 : f32
        %add3A_150 = vector.broadcast %add3A_149 : f32 to vector<16xf32>
        %add3A_151 = arith.addf %add3A_150, %exp3A_148 : vector<16xf32>
        %div3A_152 = arith.constant 1.000000e+00 : f32
        %div3A_153 = vector.broadcast %div3A_152 : f32 to vector<16xf32>
        %div3A_154 = arith.divf %div3A_153, %add3A_151 : vector<16xf32>
        %mul3A_155 = arith.constant 16 : i32
        %mul3A_156 = arith.muli %scan3A_80, %mul3A_155 : i32
        %swap3A_157 = arith.constant 4 : i32
        %swap3A_158 = arith.index_cast %swap3A_157 : i32 to index
        %swap3A_159 = arith.index_cast %mul3A_156 : i32 to index
        %swap3A_160 = tpu.vector_load %arg5[%swap3A_158, %swap3A_159] {strides = array<i32>} : memref<8x8192xf32, #tpu.memory_space<vmem>>, vector<1x16xf32>,
        %swap3A_161 = vector.shape_cast %swap3A_160 : vector<1x16xf32> to vector<16xf32>
        %swap3A_162 = vector.shape_cast %div3A_154 : vector<16xf32> to vector<1x16xf32>
        tpu.vector_store %arg5[%swap3A_158, %swap3A_159], %swap3A_162 {strides = array<i32>} : memref<8x8192xf32, #tpu.memory_space<vmem>>, vector<1x16xf32>,
        %sub3A_163 = arith.subf %get3A_86, %broadcast_in_dim3A_63 : vector<16xf32>
        %exp3A_164 = math.exp %sub3A_163 : vector<16xf32>
        %add3A_165 = arith.constant 1.000000e+00 : f32
        %add3A_166 = vector.broadcast %add3A_165 : f32 to vector<16xf32>
        %add3A_167 = arith.addf %add3A_166, %exp3A_164 : vector<16xf32>
        %div3A_168 = arith.constant 1.000000e+00 : f32
        %div3A_169 = vector.broadcast %div3A_168 : f32 to vector<16xf32>
        %div3A_170 = arith.divf %div3A_169, %add3A_167 : vector<16xf32>
        %mul3A_171 = arith.constant 16 : i32
        %mul3A_172 = arith.muli %scan3A_80, %mul3A_171 : i32
        %swap3A_173 = arith.constant 5 : i32
        %swap3A_174 = arith.index_cast %swap3A_173 : i32 to index
        %swap3A_175 = arith.index_cast %mul3A_172 : i32 to index
        %swap3A_176 = tpu.vector_load %arg5[%swap3A_174, %swap3A_175] {strides = array<i32>} : memref<8x8192xf32, #tpu.memory_space<vmem>>, vector<1x16xf32>,
        %swap3A_177 = vector.shape_cast %swap3A_176 : vector<1x16xf32> to vector<16xf32>
        %swap3A_178 = vector.shape_cast %div3A_170 : vector<16xf32> to vector<1x16xf32>
        tpu.vector_store %arg5[%swap3A_174, %swap3A_175], %swap3A_178 {strides = array<i32>} : memref<8x8192xf32, #tpu.memory_space<vmem>>, vector<1x16xf32>,
        %sub3A_179 = arith.subf %get3A_86, %broadcast_in_dim3A_66 : vector<16xf32>
        %exp3A_180 = math.exp %sub3A_179 : vector<16xf32>
        %add3A_181 = arith.constant 1.000000e+00 : f32
        %add3A_182 = vector.broadcast %add3A_181 : f32 to vector<16xf32>
        %add3A_183 = arith.addf %add3A_182, %exp3A_180 : vector<16xf32>
        %div3A_184 = arith.constant 1.000000e+00 : f32
        %div3A_185 = vector.broadcast %div3A_184 : f32 to vector<16xf32>
        %div3A_186 = arith.divf %div3A_185, %add3A_183 : vector<16xf32>
        %mul3A_187 = arith.constant 16 : i32
        %mul3A_188 = arith.muli %scan3A_80, %mul3A_187 : i32
        %swap3A_189 = arith.constant 6 : i32
        %swap3A_190 = arith.index_cast %swap3A_189 : i32 to index
        %swap3A_191 = arith.index_cast %mul3A_188 : i32 to index
        %swap3A_192 = tpu.vector_load %arg5[%swap3A_190, %swap3A_191] {strides = array<i32>} : memref<8x8192xf32, #tpu.memory_space<vmem>>, vector<1x16xf32>,
        %swap3A_193 = vector.shape_cast %swap3A_192 : vector<1x16xf32> to vector<16xf32>
        %swap3A_194 = vector.shape_cast %div3A_186 : vector<16xf32> to vector<1x16xf32>
        tpu.vector_store %arg5[%swap3A_190, %swap3A_191], %swap3A_194 {strides = array<i32>} : memref<8x8192xf32, #tpu.memory_space<vmem>>, vector<1x16xf32>,
        %sub3A_195 = arith.subf %get3A_86, %broadcast_in_dim3A_69 : vector<16xf32>
        %exp3A_196 = math.exp %sub3A_195 : vector<16xf32>
        %add3A_197 = arith.constant 1.000000e+00 : f32
        %add3A_198 = vector.broadcast %add3A_197 : f32 to vector<16xf32>
        %add3A_199 = arith.addf %add3A_198, %exp3A_196 : vector<16xf32>
        %div3A_200 = arith.constant 1.000000e+00 : f32
        %div3A_201 = vector.broadcast %div3A_200 : f32 to vector<16xf32>
        %div3A_202 = arith.divf %div3A_201, %add3A_199 : vector<16xf32>
        %mul3A_203 = arith.constant 16 : i32
        %mul3A_204 = arith.muli %scan3A_80, %mul3A_203 : i32
        %swap3A_205 = arith.constant 7 : i32
        %swap3A_206 = arith.index_cast %swap3A_205 : i32 to index
        %swap3A_207 = arith.index_cast %mul3A_204 : i32 to index
        %swap3A_208 = tpu.vector_load %arg5[%swap3A_206, %swap3A_207] {strides = array<i32>} : memref<8x8192xf32, #tpu.memory_space<vmem>>, vector<1x16xf32>,
        %swap3A_209 = vector.shape_cast %swap3A_208 : vector<1x16xf32> to vector<16xf32>
        %swap3A_210 = vector.shape_cast %div3A_202 : vector<16xf32> to vector<1x16xf32>
        tpu.vector_store %arg5[%swap3A_206, %swap3A_207], %swap3A_210 {strides = array<i32>} : memref<8x8192xf32, #tpu.memory_space<vmem>>, vector<1x16xf32>,
        %scan3A_211 = arith.constant 0 : i32
        %scan3A_212 = arith.constant 1 : i32
        %scan3A_213 = arith.addi %scan3A_80, %scan3A_212 : i32
        %mul3A_214 = arith.constant 16 : i32
        %mul3A_215 = arith.muli %scan3A_213, %mul3A_214 : i32
        %get3A_216 = arith.index_cast %mul3A_215 : i32 to index
        %get3A_217 = tpu.vector_load %arg4[%get3A_216] {strides = array<i32>} : memref<8192xf32, #tpu.memory_space<vmem>>, vector<16xf32>,
        %get3A_218 = vector.shape_cast %get3A_217 : vector<16xf32> to vector<16xf32>
        %sub3A_219 = arith.subf %get3A_218, %broadcast_in_dim3A_48 : vector<16xf32>
        %exp3A_220 = math.exp %sub3A_219 : vector<16xf32>
        %add3A_221 = arith.constant 1.000000e+00 : f32
        %add3A_222 = vector.broadcast %add3A_221 : f32 to vector<16xf32>
        %add3A_223 = arith.addf %add3A_222, %exp3A_220 : vector<16xf32>
        %div3A_224 = arith.constant 1.000000e+00 : f32
        %div3A_225 = vector.broadcast %div3A_224 : f32 to vector<16xf32>
        %div3A_226 = arith.divf %div3A_225, %add3A_223 : vector<16xf32>
        %mul3A_227 = arith.constant 16 : i32
        %mul3A_228 = arith.muli %scan3A_213, %mul3A_227 : i32
        %swap3A_229 = arith.constant 0 : i32
        %swap3A_230 = arith.index_cast %swap3A_229 : i32 to index
        %swap3A_231 = arith.index_cast %mul3A_228 : i32 to index
        %swap3A_232 = tpu.vector_load %arg5[%swap3A_230, %swap3A_231] {strides = array<i32>} : memref<8x8192xf32, #tpu.memory_space<vmem>>, vector<1x16xf32>,
        %swap3A_233 = vector.shape_cast %swap3A_232 : vector<1x16xf32> to vector<16xf32>
        %swap3A_234 = vector.shape_cast %div3A_226 : vector<16xf32> to vector<1x16xf32>
        tpu.vector_store %arg5[%swap3A_230, %swap3A_231], %swap3A_234 {strides = array<i32>} : memref<8x8192xf32, #tpu.memory_space<vmem>>, vector<1x16xf32>,
        %sub3A_235 = arith.subf %get3A_218, %broadcast_in_dim3A_51 : vector<16xf32>
        %exp3A_236 = math.exp %sub3A_235 : vector<16xf32>
        %add3A_237 = arith.constant 1.000000e+00 : f32
        %add3A_238 = vector.broadcast %add3A_237 : f32 to vector<16xf32>
        %add3A_239 = arith.addf %add3A_238, %exp3A_236 : vector<16xf32>
        %div3A_240 = arith.constant 1.000000e+00 : f32
        %div3A_241 = vector.broadcast %div3A_240 : f32 to vector<16xf32>
        %div3A_242 = arith.divf %div3A_241, %add3A_239 : vector<16xf32>
        %mul3A_243 = arith.constant 16 : i32
        %mul3A_244 = arith.muli %scan3A_213, %mul3A_243 : i32
        %swap3A_245 = arith.constant 1 : i32
        %swap3A_246 = arith.index_cast %swap3A_245 : i32 to index
        %swap3A_247 = arith.index_cast %mul3A_244 : i32 to index
        %swap3A_248 = tpu.vector_load %arg5[%swap3A_246, %swap3A_247] {strides = array<i32>} : memref<8x8192xf32, #tpu.memory_space<vmem>>, vector<1x16xf32>,
        %swap3A_249 = vector.shape_cast %swap3A_248 : vector<1x16xf32> to vector<16xf32>
        %swap3A_250 = vector.shape_cast %div3A_242 : vector<16xf32> to vector<1x16xf32>
        tpu.vector_store %arg5[%swap3A_246, %swap3A_247], %swap3A_250 {strides = array<i32>} : memref<8x8192xf32, #tpu.memory_space<vmem>>, vector<1x16xf32>,
        %sub3A_251 = arith.subf %get3A_218, %broadcast_in_dim3A_54 : vector<16xf32>
        %exp3A_252 = math.exp %sub3A_251 : vector<16xf32>
        %add3A_253 = arith.constant 1.000000e+00 : f32
        %add3A_254 = vector.broadcast %add3A_253 : f32 to vector<16xf32>
        %add3A_255 = arith.addf %add3A_254, %exp3A_252 : vector<16xf32>
        %div3A_256 = arith.constant 1.000000e+00 : f32
        %div3A_257 = vector.broadcast %div3A_256 : f32 to vector<16xf32>
        %div3A_258 = arith.divf %div3A_257, %add3A_255 : vector<16xf32>
        %mul3A_259 = arith.constant 16 : i32
        %mul3A_260 = arith.muli %scan3A_213, %mul3A_259 : i32
        %swap3A_261 = arith.constant 2 : i32
        %swap3A_262 = arith.index_cast %swap3A_261 : i32 to index
        %swap3A_263 = arith.index_cast %mul3A_260 : i32 to index
        %swap3A_264 = tpu.vector_load %arg5[%swap3A_262, %swap3A_263] {strides = array<i32>} : memref<8x8192xf32, #tpu.memory_space<vmem>>, vector<1x16xf32>,
        %swap3A_265 = vector.shape_cast %swap3A_264 : vector<1x16xf32> to vector<16xf32>
        %swap3A_266 = vector.shape_cast %div3A_258 : vector<16xf32> to vector<1x16xf32>
        tpu.vector_store %arg5[%swap3A_262, %swap3A_263], %swap3A_266 {strides = array<i32>} : memref<8x8192xf32, #tpu.memory_space<vmem>>, vector<1x16xf32>,
        %sub3A_267 = arith.subf %get3A_218, %broadcast_in_dim3A_57 : vector<16xf32>
        %exp3A_268 = math.exp %sub3A_267 : vector<16xf32>
        %add3A_269 = arith.constant 1.000000e+00 : f32
        %add3A_270 = vector.broadcast %add3A_269 : f32 to vector<16xf32>
        %add3A_271 = arith.addf %add3A_270, %exp3A_268 : vector<16xf32>
        %div3A_272 = arith.constant 1.000000e+00 : f32
        %div3A_273 = vector.broadcast %div3A_272 : f32 to vector<16xf32>
        %div3A_274 = arith.divf %div3A_273, %add3A_271 : vector<16xf32>
        %mul3A_275 = arith.constant 16 : i32
        %mul3A_276 = arith.muli %scan3A_213, %mul3A_275 : i32
        %swap3A_277 = arith.constant 3 : i32
        %swap3A_278 = arith.index_cast %swap3A_277 : i32 to index
        %swap3A_279 = arith.index_cast %mul3A_276 : i32 to index
        %swap3A_280 = tpu.vector_load %arg5[%swap3A_278, %swap3A_279] {strides = array<i32>} : memref<8x8192xf32, #tpu.memory_space<vmem>>, vector<1x16xf32>,
        %swap3A_281 = vector.shape_cast %swap3A_280 : vector<1x16xf32> to vector<16xf32>
        %swap3A_282 = vector.shape_cast %div3A_274 : vector<16xf32> to vector<1x16xf32>
        tpu.vector_store %arg5[%swap3A_278, %swap3A_279], %swap3A_282 {strides = array<i32>} : memref<8x8192xf32, #tpu.memory_space<vmem>>, vector<1x16xf32>,
        %sub3A_283 = arith.subf %get3A_218, %broadcast_in_dim3A_60 : vector<16xf32>
        %exp3A_284 = math.exp %sub3A_283 : vector<16xf32>
        %add3A_285 = arith.constant 1.000000e+00 : f32
        %add3A_286 = vector.broadcast %add3A_285 : f32 to vector<16xf32>
        %add3A_287 = arith.addf %add3A_286, %exp3A_284 : vector<16xf32>
        %div3A_288 = arith.constant 1.000000e+00 : f32
        %div3A_289 = vector.broadcast %div3A_288 : f32 to vector<16xf32>
        %div3A_290 = arith.divf %div3A_289, %add3A_287 : vector<16xf32>
        %mul3A_291 = arith.constant 16 : i32
        %mul3A_292 = arith.muli %scan3A_213, %mul3A_291 : i32
        %swap3A_293 = arith.constant 4 : i32
        %swap3A_294 = arith.index_cast %swap3A_293 : i32 to index
        %swap3A_295 = arith.index_cast %mul3A_292 : i32 to index
        %swap3A_296 = tpu.vector_load %arg5[%swap3A_294, %swap3A_295] {strides = array<i32>} : memref<8x8192xf32, #tpu.memory_space<vmem>>, vector<1x16xf32>,
        %swap3A_297 = vector.shape_cast %swap3A_296 : vector<1x16xf32> to vector<16xf32>
        %swap3A_298 = vector.shape_cast %div3A_290 : vector<16xf32> to vector<1x16xf32>
        tpu.vector_store %arg5[%swap3A_294, %swap3A_295], %swap3A_298 {strides = array<i32>} : memref<8x8192xf32, #tpu.memory_space<vmem>>, vector<1x16xf32>,
        %sub3A_299 = arith.subf %get3A_218, %broadcast_in_dim3A_63 : vector<16xf32>
        %exp3A_300 = math.exp %sub3A_299 : vector<16xf32>
        %add3A_301 = arith.constant 1.000000e+00 : f32
        %add3A_302 = vector.broadcast %add3A_301 : f32 to vector<16xf32>
        %add3A_303 = arith.addf %add3A_302, %exp3A_300 : vector<16xf32>
        %div3A_304 = arith.constant 1.000000e+00 : f32
        %div3A_305 = vector.broadcast %div3A_304 : f32 to vector<16xf32>
        %div3A_306 = arith.divf %div3A_305, %add3A_303 : vector<16xf32>
        %mul3A_307 = arith.constant 16 : i32
        %mul3A_308 = arith.muli %scan3A_213, %mul3A_307 : i32
        %swap3A_309 = arith.constant 5 : i32
        %swap3A_310 = arith.index_cast %swap3A_309 : i32 to index
        %swap3A_311 = arith.index_cast %mul3A_308 : i32 to index
        %swap3A_312 = tpu.vector_load %arg5[%swap3A_310, %swap3A_311] {strides = array<i32>} : memref<8x8192xf32, #tpu.memory_space<vmem>>, vector<1x16xf32>,
        %swap3A_313 = vector.shape_cast %swap3A_312 : vector<1x16xf32> to vector<16xf32>
        %swap3A_314 = vector.shape_cast %div3A_306 : vector<16xf32> to vector<1x16xf32>
        tpu.vector_store %arg5[%swap3A_310, %swap3A_311], %swap3A_314 {strides = array<i32>} : memref<8x8192xf32, #tpu.memory_space<vmem>>, vector<1x16xf32>,
        %sub3A_315 = arith.subf %get3A_218, %broadcast_in_dim3A_66 : vector<16xf32>
        %exp3A_316 = math.exp %sub3A_315 : vector<16xf32>
        %add3A_317 = arith.constant 1.000000e+00 : f32
        %add3A_318 = vector.broadcast %add3A_317 : f32 to vector<16xf32>
        %add3A_319 = arith.addf %add3A_318, %exp3A_316 : vector<16xf32>
        %div3A_320 = arith.constant 1.000000e+00 : f32
        %div3A_321 = vector.broadcast %div3A_320 : f32 to vector<16xf32>
        %div3A_322 = arith.divf %div3A_321, %add3A_319 : vector<16xf32>
        %mul3A_323 = arith.constant 16 : i32
        %mul3A_324 = arith.muli %scan3A_213, %mul3A_323 : i32
        %swap3A_325 = arith.constant 6 : i32
        %swap3A_326 = arith.index_cast %swap3A_325 : i32 to index
        %swap3A_327 = arith.index_cast %mul3A_324 : i32 to index
        %swap3A_328 = tpu.vector_load %arg5[%swap3A_326, %swap3A_327] {strides = array<i32>} : memref<8x8192xf32, #tpu.memory_space<vmem>>, vector<1x16xf32>,
        %swap3A_329 = vector.shape_cast %swap3A_328 : vector<1x16xf32> to vector<16xf32>
        %swap3A_330 = vector.shape_cast %div3A_322 : vector<16xf32> to vector<1x16xf32>
        tpu.vector_store %arg5[%swap3A_326, %swap3A_327], %swap3A_330 {strides = array<i32>} : memref<8x8192xf32, #tpu.memory_space<vmem>>, vector<1x16xf32>,
        %sub3A_331 = arith.subf %get3A_218, %broadcast_in_dim3A_69 : vector<16xf32>
        %exp3A_332 = math.exp %sub3A_331 : vector<16xf32>
        %add3A_333 = arith.constant 1.000000e+00 : f32
        %add3A_334 = vector.broadcast %add3A_333 : f32 to vector<16xf32>
        %add3A_335 = arith.addf %add3A_334, %exp3A_332 : vector<16xf32>
        %div3A_336 = arith.constant 1.000000e+00 : f32
        %div3A_337 = vector.broadcast %div3A_336 : f32 to vector<16xf32>
        %div3A_338 = arith.divf %div3A_337, %add3A_335 : vector<16xf32>
        %mul3A_339 = arith.constant 16 : i32
        %mul3A_340 = arith.muli %scan3A_213, %mul3A_339 : i32
        %swap3A_341 = arith.constant 7 : i32
        %swap3A_342 = arith.index_cast %swap3A_341 : i32 to index
        %swap3A_343 = arith.index_cast %mul3A_340 : i32 to index
        %swap3A_344 = tpu.vector_load %arg5[%swap3A_342, %swap3A_343] {strides = array<i32>} : memref<8x8192xf32, #tpu.memory_space<vmem>>, vector<1x16xf32>,
        %swap3A_345 = vector.shape_cast %swap3A_344 : vector<1x16xf32> to vector<16xf32>
        %swap3A_346 = vector.shape_cast %div3A_338 : vector<16xf32> to vector<1x16xf32>
        tpu.vector_store %arg5[%swap3A_342, %swap3A_343], %swap3A_346 {strides = array<i32>} : memref<8x8192xf32, #tpu.memory_space<vmem>>, vector<1x16xf32>,
        %scan3A_347 = arith.constant 0 : i32
        scf.yield %scan3A_347 : i32
      }
      %scan3A_76 = arith.constant 512 : i32
      %add3A_77 = arith.constant 8 : i32
      %add3A_78 = arith.addi %add3A_13, %add3A_77 : i32
      "tpu.region"() ({
        %run_scoped3A = tpu.sem_alloc : memref<!tpu.dma_semaphore, #tpu.memory_space<semaphore_mem>>
        %dma_start3A = arith.constant 0 : i32
        %dma_start3A_80 = tpu.memref_slice %arg3[%add3A_78, %dma_start3A] : memref<1024x8192xf32, #tpu.memory_space<hbm>> -> memref<8x8192xf32, #tpu.memory_space<hbm>>
        %dma_start3A_81 = arith.constant 0 : i32
        %dma_start3A_82 = tpu.memref_slice %arg3[%add3A_78, %dma_start3A_81] : memref<1024x8192xf32, #tpu.memory_space<hbm>> -> memref<8x8192xf32, #tpu.memory_space<hbm>>
        tpu.enqueue_dma source(%arg5 : memref<8x8192xf32, #tpu.memory_space<vmem>>) target(%dma_start3A_82 : memref<8x8192xf32, #tpu.memory_space<hbm>>) target_semaphore(%run_scoped3A : memref<!tpu.dma_semaphore, #tpu.memory_space<semaphore_mem>>)
        %dma_wait3A = arith.constant 0 : i32
        %dma_wait3A_83 = tpu.memref_slice %arg3[%add3A_78, %dma_wait3A] : memref<1024x8192xf32, #tpu.memory_space<hbm>> -> memref<8x8192xf32, #tpu.memory_space<hbm>>
        %dma_wait3A_84 = arith.constant 0 : i32
        %dma_wait3A_85 = tpu.memref_slice %arg3[%add3A_78, %dma_wait3A_84] : memref<1024x8192xf32, #tpu.memory_space<hbm>> -> memref<8x8192xf32, #tpu.memory_space<hbm>>
        tpu.wait_dma2 semaphore(%run_scoped3A : memref<!tpu.dma_semaphore, #tpu.memory_space<semaphore_mem>>) src(%arg5 : memref<8x8192xf32, #tpu.memory_space<vmem>>) dst(%dma_wait3A_85 : memref<8x8192xf32, #tpu.memory_space<hbm>>)
        tpu.yield
      }) : () -> ()
      %scan3A_79 = arith.constant 0 : i32
      scf.yield %scan3A_79 : i32
    }
    %scan3A_8 = arith.constant 2 : i32
    return
  }
}

module attributes {stable_mosaic.version = 14 : i64} {
  func.func @_bt_tc_block(%arg0: i32, %arg1: memref<256x1xf32, #tpu.memory_space<vmem>>, %arg2: memref<1x8192xf32, #tpu.memory_space<vmem>>, %arg3: memref<256x8192xf32, #tpu.memory_space<vmem>>) attributes {dimension_semantics = [#tpu.dimension_semantics<arbitrary>], iteration_bounds = array<i64: 28>, scalar_prefetch = 0 : i64, scratch_operands = 0 : i64, tpu.core_type = #tpu.core_type<tc>, window_params = [{transform_indices = @transform_0, window_bounds = array<i64: 256, 1>}, {pipeline_mode = #tpu.pipeline_mode<synchronous>, transform_indices = @transform_1, window_bounds = array<i64: 1, 8192>}, {transform_indices = @transform_2, window_bounds = array<i64: 256, 8192>}]} {
    %get3A = arith.constant 0 : index
    %get3A_0 = arith.constant 0 : index
    %get3A_1 = vector.load %arg2[%get3A, %get3A_0] : memref<1x8192xf32, #tpu.memory_space<vmem>>, vector<1x8192xf32>
    %get3A_2 = arith.constant 0 : index
    %get3A_3 = arith.constant 0 : index
    %get3A_4 = vector.load %arg1[%get3A_2, %get3A_3] : memref<256x1xf32, #tpu.memory_space<vmem>>, vector<256x1xf32>
    %sub3A = vector.broadcast %get3A_1 : vector<1x8192xf32> to vector<256x8192xf32>
    %sub3A_5 = vector.broadcast %get3A_4 : vector<256x1xf32> to vector<256x8192xf32>
    %sub3A_6 = arith.subf %sub3A, %sub3A_5 : vector<256x8192xf32>
    %exp3A = math.exp %sub3A_6 : vector<256x8192xf32>
    %add3A = arith.constant 1.000000e+00 : f32
    %add3A_7 = vector.broadcast %add3A : f32 to vector<256x8192xf32>
    %add3A_8 = arith.addf %add3A_7, %exp3A : vector<256x8192xf32>
    %div3A = arith.constant 1.000000e+00 : f32
    %div3A_9 = vector.broadcast %div3A : f32 to vector<256x8192xf32>
    %div3A_10 = arith.divf %div3A_9, %add3A_8 : vector<256x8192xf32>
    %swap3A = arith.constant 0 : index
    %swap3A_11 = arith.constant 0 : index
    %swap3A_12 = vector.load %arg3[%swap3A, %swap3A_11] : memref<256x8192xf32, #tpu.memory_space<vmem>>, vector<256x8192xf32>
    tpu.vector_store %arg3[%swap3A, %swap3A_11], %div3A_10 {strides = array<i32>} : memref<256x8192xf32, #tpu.memory_space<vmem>>, vector<256x8192xf32>,
    return
  }
  func.func @transform_0(%arg0: i32) -> (i32, i32) {
    %add3A = arith.constant 4 : i32
    %add3A_0 = arith.addi %arg0, %add3A : i32
    %c0_i32 = arith.constant 0 : i32
    %c0_i32_1 = arith.constant 0 : i32
    return %add3A_0, %c0_i32 : i32, i32
  }
  func.func @transform_1(%arg0: i32) -> (i32, i32) {
    %c0_i32 = arith.constant 0 : i32
    %c0_i32_0 = arith.constant 0 : i32
    %c0_i32_1 = arith.constant 0 : i32
    return %c0_i32, %c0_i32_0 : i32, i32
  }
  func.func @transform_2(%arg0: i32) -> (i32, i32) {
    %c0_i32 = arith.constant 0 : i32
    %c0_i32_0 = arith.constant 0 : i32
    return %arg0, %c0_i32 : i32, i32
  }
}

</mosaic_0001>

<sc_bundles>
// kernel: kernel.4.cloned.1.call-start
scs
__scs_entry_jumppad:
0x0: {  	(pc) =	sbr.rel $0x88, $3  }
0x1: {  	(tag) =	ssettag $0x0;
	lr =	simm.s32 $0x1  }
0x2: {  	[smem:$0x3FA0] =	sst lr;
	_ =	strace $0xD0000000  }
0x3: {  	_ = 	snop  }
0x4: {  	_ = 	snop  }
0x5: {  	_ = 	snop  }
0x6: {  	_ = 	snop  }
0x7: {  	_ = 	snop  }
__scs_overlays_trampoline_lowered:
0x8: {  	[smem:$0x3FAF] =	sst s0  }
0x9: {  	[smem:$0x3FB0] =	sst s1  }
0xa: {  	[smem:$0x3FB1] =	sst s2  }
0xb: {  	[smem:$0x3FB2] =	sst s3  }
0xc: {  	[smem:$0x3FB3] =	sst s4  }
0xd: {  	[smem:$0x3FB4] =	sst s5  }
0xe: {  	[smem:$0x3FB5] =	sst s6  }
0xf: {  	[smem:$0x3FB6] =	sst s7  }
0x10: {  	[smem:$0x3FB7] =	sst s8  }
0x11: {  	[smem:$0x3FB8] =	sst s9;
	s0 =	simm.s32 @!p0 $0x0  }
0x12: {  	s1 =	sld [smem:$0x3F9E];
	s0 =	simm.s32 @p0 $0x1  }
0x13: {  	[smem:$0x3FB9] =	sst s0;
	s0 =	simm.s32 @!p1 $0x0  }
0x14: {  	s2 =	sld [smem:$0x3F9D];
	s0 =	simm.s32 @p1 $0x1  }
0x15: {  	[smem:$0x3FBA] =	sst s0;
	s0 =	simm.s32 @!p2 $0x0  }
0x16: {  	s3 =	sld [smem:$0x3FDB];
	s0 =	simm.s32 @p2 $0x1  }
0x17: {  	s4 =	simm.s32 $0x1BF5;
	[smem:$0x3FBC] =	sst s0  }
0x18: {  	s0 =	sld [smem:$0x3F9F];
	_ =	swait.ge [sflag:s4], $0x0  }
0x19: {  	s7 =	sld [smem:$0x3FA0]  }
0x1a: {  	s8 =	sadd.s32 $0xFFFFE003, lr  }
0x1b: {  	s9 =	sadd.s32 $0xFFFFFEF7, lr;
	s5 =	simm.s32 $0xFFFFFFFF;
	p2 =	slt.u32 s8, $0xFFFFF086  }
0x1c: {  	p1 =	slt.u32 s9, $0xF7A;
	s5 =	simm.s32 @!p2 $0x0  }
0x1d: {  	s5 =	simm.s32 @p1 $0x1;
	p0 =	seq.s32 s7, s2  }
0x1e: {  	s7 =	smul.u32 @!p0 $0xF7A, s2;
	p2 =	seq.s32 @!p0 s5, $0x0  }
0x1f: {  	s9 =	smul.u32 $0xF7A, s1;
	s8 =	simm.s32 @!p0 $0x1BF5;
	p2 =	por !p2, p0  }
0x20: {  	[sflag:s8] =	ssyncset.s32 @!p0 $0xFFFFF086;
	s6 =	sadd.s32 @!p0 s3, s7;
	s7 =	simm.s32 @!p0 $0x108  }
0x21: {  	s3 =	sadd.s32 s3, s9;
	s6 =	sadd.s32 @!p0 $0x88, s6;
	s7 =	simm.s32 @p2 $0x1082  }
0x22: {  	[simem:s7], [sflag:s8] =	dma.local @!p0 [hbm:s6], $0xF7A  }
0x23: {  	s9 =	sor.u32 $0xD0000000, s2;
	s6 =	simm.s32 $0x108;
	_ =	swait.ge @!p0 [sflag:s8], $0x0  }
0x24: {  	s3 =	sadd.s32 $0x88, s3;
	s6 =	simm.s32 @!p1 $0x1082;
	[sflag:s4] =	ssyncset.s32 $0xFFFFF086  }
0x25: {  	[simem:s6], [sflag:s4] =	dma.local [hbm:s3], $0xF7A  }
0x26: {  	[smem:$0x3FA0] =	sst s1;
	(tag) =	ssettag s2;
	_ =	strace s9  }
0x27: {  	s1 =	sld [smem:$0x3FB0]  }
0x28: {  	s2 =	sld [smem:$0x3FB1]  }
0x29: {  	s4 =	sld [smem:$0x3FB3]  }
0x2a: {  	p0 =	seq.s32 s5, $0x0;
	s5 =	sld [smem:$0x3FB4]  }
0x2b: {  	s6 =	sld [smem:$0x3FB5]  }
0x2c: {  	s7 =	sld [smem:$0x3FB6]  }
0x2d: {  	s3 =	simm.s32 $0x108;
	s8 =	sld [smem:$0x3FB7]  }
0x2e: {  	s3 =	simm.s32 @!p0 $0x1082;
	s9 =	sld [smem:$0x3FB8]  }
0x2f: {  	lr =	sadd.s32 s0, s3;
	s0 =	sld [smem:$0x3FAF]  }
0x30: {  	s3 =	sld [smem:$0x3FB2]  }
0x31: {  	[smem:$0x3FBB] =	sst s10  }
0x32: {  	s10 =	sld [smem:$0x3FB9];
	_ =	sdelay $0x3  }
0x33: {  	p0 =	seq.s32 s10, $0x1;
	s10 =	sld [smem:$0x3FBB];
	_ =	sdelay $0x3  }
0x34: {  	[smem:$0x3FBB] =	sst s10  }
0x35: {  	s10 =	sld [smem:$0x3FBA];
	_ =	sdelay $0x3  }
0x36: {  	p1 =	seq.s32 s10, $0x1;
	s10 =	sld [smem:$0x3FBB];
	_ =	sdelay $0x3  }
0x37: {  	[smem:$0x3FBB] =	sst s10  }
0x38: {  	s10 =	sld [smem:$0x3FBC]  }
0x39: {  	_ = 	snop;
	(pc) =	sbr.ind lr, $3  }
0x3a: {  	_ = 	snop  }
0x3b: {  	_ = 	snop  }
0x3c: {  	p2 =	seq.s32 s10, $0x1;
	s10 =	sld [smem:$0x3FBB]  }
0x3d: {  	_ =	shalt  }
0x3e: {  	_ =	shalt  }
0x3f: {  	_ =	shalt  }
0x40: {  	_ =	shalt  }
0x41: {  	_ =	shalt  }
0x42: {  	_ =	shalt  }
0x43: {  	_ =	shalt  }
0x44: {  	_ =	shalt  }
0x45: {  	_ =	shalt  }
0x46: {  	_ =	shalt  }
0x47: {  	_ =	shalt  }
0x48: {  	_ =	shalt  }
0x49: {  	_ =	shalt  }
0x4a: {  	_ =	shalt  }
0x4b: {  	_ =	shalt  }
0x4c: {  	_ =	shalt  }
0x4d: {  	_ =	shalt  }
0x4e: {  	_ =	shalt  }
0x4f: {  	_ =	shalt  }
0x50: {  	_ =	shalt  }
0x51: {  	_ =	shalt  }
0x52: {  	_ =	shalt  }
0x53: {  	_ =	shalt  }
0x54: {  	_ =	shalt  }
0x55: {  	_ =	shalt  }
0x56: {  	_ =	shalt  }
0x57: {  	_ =	shalt  }
0x58: {  	_ =	shalt  }
0x59: {  	_ =	shalt  }
0x5a: {  	_ =	shalt  }
0x5b: {  	_ =	shalt  }
0x5c: {  	_ =	shalt  }
0x5d: {  	_ =	shalt  }
0x5e: {  	_ =	shalt  }
0x5f: {  	_ =	shalt  }
0x60: {  	_ =	shalt  }
0x61: {  	_ =	shalt  }
0x62: {  	_ =	shalt  }
0x63: {  	_ =	shalt  }
0x64: {  	_ =	shalt  }
0x65: {  	_ =	shalt  }
0x66: {  	_ =	shalt  }
0x67: {  	_ =	shalt  }
0x68: {  	_ =	shalt  }
0x69: {  	_ =	shalt  }
0x6a: {  	_ =	shalt  }
0x6b: {  	_ =	shalt  }
0x6c: {  	_ =	shalt  }
0x6d: {  	_ =	shalt  }
0x6e: {  	_ =	shalt  }
0x6f: {  	_ =	shalt  }
0x70: {  	_ =	shalt  }
0x71: {  	_ =	shalt  }
0x72: {  	_ =	shalt  }
0x73: {  	_ =	shalt  }
0x74: {  	_ =	shalt  }
0x75: {  	_ =	shalt  }
0x76: {  	_ =	shalt  }
0x77: {  	_ =	shalt  }
0x78: {  	_ =	shalt  }
0x79: {  	_ =	shalt  }
0x7a: {  	_ =	shalt  }
0x7b: {  	_ =	shalt  }
0x7c: {  	_ =	shalt  }
0x7d: {  	_ =	shalt  }
0x7e: {  	_ =	shalt  }
0x7f: {  	_ =	shalt  }
0x80: {  	_ =	shalt  }
0x81: {  	_ =	shalt  }
0x82: {  	_ =	shalt  }
0x83: {  	_ =	shalt  }
0x84: {  	_ =	shalt  }
0x85: {  	_ =	shalt  }
0x86: {  	_ =	shalt  }
0x87: {  	_ =	shalt  }
.Lfunc_end0:
.L_simem_size_0:
called_computation_lowered:
.L_overlay_start_0:
0x88: {  	s2 =	sld [smem:$0x3FD9]  }
0x89: {  	s3 =	sld [smem:$0x3FFE];
	_ =	sdelay $0x1  }
0x8a: {  	s1 =	srdreg.scid  }
0x8b: {  	s0 =	sand.u32 $0x1, s1  }
0x8c: {  	s17 =	sshll.u32 s0, $0xA;
	s2 =	sadd.s32 s3, s2  }
0x8d: {  	s2 =	sadd.s32 s2, s17  }
0x8e: {  	[smem:$0x3FC7] =	sst s2  }
0x8f: {  	_ = 	snop  }
0x90: {  	s2 =	sld [smem:$0x3FC9];
	(tm) =	ssettm $0x1  }
0x91: {  	s18 =	sld [smem:$0x3FFB];
	_ =	sdelay $0x3  }
0x92: {  	_ =	strace s18  }
0x93: {  	s3 =	sld [smem:$0x3FFC];
	_ =	sdelay $0x3  }
0x94: {  	_ =	strace s3  }
0x95: {  	s3 =	sld [smem:$0x3FFD];
	_ =	sdelay $0x3  }
0x96: {  	_ =	strace s3  }
0x97: {  	_ =	strace $0x8FFFFFFF  }
0x98: {  	s19 =	sld [smem:$0x3FDB];
	_ =	sdelay $0x1  }
0x99: {  	s4 =	simm.s32 $_scs_section_size  }
0x9a: {  	s5 =	simm.s32 $_size__tile_overlayer_lowered;
	s6 =	simm.s32 $_tile_overlayer_lowered  }
0x9b: {  	s22 =	simm.s32 $0x1BFF;
	s21 =	sshll.u32 s6, $0x1;
	s3 =	sadd.s32 s4, s19  }
0x9c: {  	s7 =	simm.s32 $0x0;
	s20 =	sshll.u32 s5, $0x1;
	s5 =	sadd.s32 s21, s3  }
0x9d: {  	[timem:s7], [sflag:s22] =	dma.local [hbm:s5], s20  }
0x9e: {  	_ =	swait.ge [sflag:s22], s20  }
0x9f: {  	s4 =	ssub.s32 $0x0, s20;
	[sflag:s22] =	ssyncset.done $0x0  }
0xa0: {  	[sflag:s22] =	ssyncadd.s32 s4;
	_ =	sdelay $0x1  }
0xa1: {  	s23 =	simm.s32 $0x1B8B  }
0xa2: {  	_ =	swait.ge [sflag:s23], $0x1  }
0xa3: {  	[sflag:s23] =	ssyncset.done $0x0  }
0xa4: {  	s25 =	simm.s32 $0x1B8E;
	s24 =	sld [smem:$0x3FFE];
	[sflag:s23] =	ssyncadd.s32 $0xFFFFFFFF  }
0xa5: {  	s26 =	simm.s32 $execute0_lowered;
	[smem:$0x3FD2] =	sst s25  }
0xa6: {  	s5 =	sshll.u32 s26, $0x1;
	_ =	strace $0x80000046;
	[dreg:$0x1] =	wrdreg $0xFFFFFFFF  }
0xa7: {  	s28 =	simm.s32 $_size_execute0_lowered;
	s3 =	sadd.s32 s3, s5;
	[dreg:$0x0] =	wrdreg $0x0  }
0xa8: {  	s5 =	sshll.u32 s28, $0x1;
	[dreg:$0x2] =	wrdreg s3  }
0xa9: {  	[dreg:$0x3] =	wrdreg s5  }
0xaa: {  	[dreg:$0x4] =	wrdreg $0xC0  }
0xab: {  	_ =	task [dreg:s7], $0x5FFFF  }
0xac: {  	[dreg:$0x1] =	wrdreg $0xFFFFFFFF  }
0xad: {  	[dreg:$0x0] =	wrdreg $0x60  }
0xae: {  	[dreg:$0x2] =	wrdreg s2  }
0xaf: {  	[dreg:$0x3] =	wrdreg s24  }
0xb0: {  	[dreg:$0x4] =	wrdreg $0x9  }
0xb1: {  	_ =	task.clear_ibuf [dreg:s7], $0x5FFFF;
	_ =	strace $0x90000046  }
0xb2: {  	s29 =	simm.s32 $0x9;
	_ =	strace $0x80000048  }
0xb3: {  	_ =	swait.ge [sflag:s29], $0x1  }
0xb4: {  	[sflag:s29] =	ssyncadd.s32 $0xFFFFFFFF  }
0xb5: {  	_ =	strace $0x90000048  }
0xb6: {  	_ =	sfence  }
0xb7: {  	s30 =	sld [smem:$0x0];
	_ =	sdelay $0x2  }
0xb8: {  	s31 =	sshll.u32 s1, $0xD;
	s1 =	sshrl.u32 s1, $0x2  }
0xb9: {  	s3 =	sand.u32 $0x4000, s31;
	s1 =	sadd.s32 s1, s30  }
0xba: {  	s0 =	sor.u32 s3, s0;
	s1 =	sshll.u32 s1, $0x11  }
0xbb: {  	s0 =	sor.u32 s1, s0  }
0xbc: {  	s0 =	sadd.s32 $0x8F2B, s0  }
0xbd: {  	[sflag:s0] =	ssyncadd.remote.s32 $0x1  }
0xbe: {  	_ =	sfence.sel $0xFFFF  }
0xbf: {  	[dreg:$0x0] =	wrdreg $0xFFFFFFFF;
	(pc) =	sbr.abs _section_cstart, $3  }
0xc0: {  	[dreg:$0x1] =	wrdreg $0xFFFFFFFF  }
0xc1: {  	_ =	task.clear_ibuf [dreg:s7], $0x2FFFF;
	_ =	strace $0x9FFFFFFF  }
0xc2: {  	(tm) =	ssettm $0x7FFFFFFF  }
0xc3: {  	_ =	shalt  }
tec
execute0_lowered:
.L_overlay_start_1:
0x0: {  	(tag) =	ssettag $0x1  }
0x1: {  	s1 =	rddreg [dreg:$0x0]  }
0x2: {  	s6 =	rddreg [dreg:$0x1]  }
0x3: {  	s0 =	rddreg [dreg:$0x2]  }
0x4: {  	s2 =	simm.s32 $0x0;
	s3 =	srdreg.scid;
	s9 =	simm.s32 $0x2000  }
0x5: {  	s10 =	simm.s32 $0x0;
	[smem:$0x7FF] =	sst s2;
	s5 =	sand.u32 $0x1, s3  }
0x6: {  	s4 =	sadd.s32 $0x600, s6;
	s3 =	stileid.u32;
	s7 =	ssub.s32 $0x2, s5  }
0x7: {  	s6 =	sadd.s32 $0x2600, s6;
	_ =	strace $0x80000047;
	s8 =	sshrl.u32 s7, $0x1  }
0x8: {  	s31 =	sshll.u32 s3, $0x6;
	s5 =	sshll.u32 s5, $0x5;
	s7 =	ssub.s32 s7, s8  }
0x9: {  	s5 =	sor.u32 s5, s31;
	s8 =	simm.s32 $0x1;
	s7 =	smax.u32 s7, $0x1  }
.LBB2_1:
0xa: {  	[tilespmem:s2], [sflag:$0x1] =	stream.linear.gather [hbm4b:s1+s2], $0x2000, $0x38;
	[tilespmem:$0x12000] =	vst v63  }
0xb: {  	_ =	swait.ge [sflag:s8], $0x2000  }
0xc: {  	[sflag:s8] =	ssyncset.done $0x0  }
0xd: {  	p1 =	por $0x1, $0x1;
	s11 =	simm.s32 $0x0;
	[sflag:s8] =	ssyncadd.s32 $0xFFFFE000  }
.LBB2_2:
0xe: {  	s11 =	sor.u32 s5, s11  }
0xf: {  	v0 =	vld [tilespmem:s11+$0x0]  }
0x10: {  	s12 =	simm.s32 $0x0  }
0x11: {  	v9 =	vld [tilespmem:s12+$0x0];
	_ =	sdelay $0x2  }
0x12: {  	v2 =	vbroadcast v0, $0x4  }
0x13: {  	v1 =	vbroadcast v0, $0x1  }
0x14: {  	v6 =	vbroadcast v0, $0x0;
	v7 =	vbroadcast v0, $0x2;
	v4 =	vsub.f32 v9, v2  }
0x15: {  	v8 =	vbroadcast v0, $0x3;
	v5 =	vbroadcast v0, $0x5;
	v10 =	vsub.f32 v9, v1  }
0x16: {  	v3 =	vbroadcast v0, $0x6;
	v11 =	vsub.f32 v9, v7;
	v12 =	vmul.f32 $1.442695020e+00, v4  }
0x17: {  	v13 =	vsub.f32 v9, v8;
	v4 =	vbroadcast v0, $0x7;
	v10 =	vmul.f32 $1.442695020e+00, v10  }
0x18: {  	v11 =	vmul.f32 $1.442695020e+00, v11;
	(erf) = vpow2.f32 v12  }
0x19: {  	v13 =	vmul.f32 $1.442695020e+00, v13;
	(erf) = vpow2.f32 v10  }
0x1a: {  	v14 =	vsub.f32 v9, v5;
	v60 =	vsub.f32 v9, v6;
	(erf) = vpow2.f32 v11  }
0x1b: {  	v10 =	vsub.f32 v9, v3;
	v9 =	vsub.f32 v9, v4;
	(erf) = vpow2.f32 v13  }
0x1c: {  	v14 =	vmul.f32 $1.442695020e+00, v14  }
0x1d: {  	v11 =	vmul.f32 $1.442695020e+00, v60;
	v9 =	vmul.f32 $1.442695020e+00, v9  }
0x1e: {  	v10 =	vmul.f32 $1.442695020e+00, v10;
	(erf) = vpow2.f32 v14  }
0x1f: {  	(erf) = vpow2.f32 v11  }
0x20: {  	(erf) = vpow2.f32 v10  }
0x21: {  	(erf) = vpow2.f32 v9;
	v9 =	vpop (erf)  }
0x22: {  	v10 =	vpop (erf)  }
0x23: {  	v9 =	vadd.f32 $1.000000000e+00, v9;
	v10 =	vadd.f32 $1.000000000e+00, v10;
	v11 =	vpop (erf)  }
0x24: {  	v61 =	vpop (erf)  }
0x25: {  	(erf) = vrcp.f32 v9;
	v9 =	vadd.f32 $1.000000000e+00, v61  }
0x26: {  	v11 =	vadd.f32 $1.000000000e+00, v11  }
0x27: {  	(erf) = vrcp.f32 v10;
	v10 =	vpop (erf)  }
0x28: {  	(erf) = vrcp.f32 v11;
	v10 =	vadd.f32 $1.000000000e+00, v10;
	v62 =	vpop (erf)  }
0x29: {  	(erf) = vrcp.f32 v9;
	v11 =	vadd.f32 $1.000000000e+00, v62;
	v9 =	vpop (erf)  }
0x2a: {  	s14 =	simm.s32 $0x0;
	s16 =	simm.s32 $0x1;
	v63 =	vadd.f32 $1.000000000e+00, v9;
	(erf) = vrcp.f32 v10;
	v9 =	vpop (erf)  }
0x2b: {  	s17 =	simm.s32 $0x20;
	s18 =	simm.s32 $0x20;
	p0 =	por p1, p1;
	(erf) = vrcp.f32 v11;
	v9 =	vadd.f32 $1.000000000e+00, v9  }
0x2c: {  	s19 =	simm.s32 $0x0;
	s13 =	simm.s32 $0x0;
	s15 =	simm.s32 $0x0;
	(erf) = vrcp.f32 v63  }
.LBB2_3:
0x2d: {  	s14 =	sadd.s32 $0x2, s14;
	s20 =	sand.u32 $0xFC00, s12;
	s19 =	sadd.s32 $0x100, s19;
	(erf) = vrcp.f32 v9  }
0x2e: {  	s22 =	sand.u32 $0x60, s13;
	p1 =	slt.u32 s14, $0x1FE;
	s20 =	sadd.s32 $0x2000, s20  }
0x2f: {  	s21 =	sor.u32 s22, s20;
	v9 =	vpop (erf)  }
0x30: {  	[tilespmem:s21+$0x200] =	vst v9;
	v9 =	vpop (erf)  }
0x31: {  	[tilespmem:s21+$0x80] =	vst v9;
	v9 =	vpop (erf)  }
0x32: {  	s23 =	sand.u32 $0x3, s15;
	s15 =	smov.u32 s16;
	[tilespmem:s21+$0x100] =	vst v9;
	v9 =	vpop (erf)  }
0x33: {  	s23 =	sshll.u32 s23, $0x5;
	[tilespmem:s21+$0x180] =	vst v9;
	v9 =	vpop (erf)  }
0x34: {  	s23 =	sadd.s32 s23, s12;
	s12 =	smov.u32 s19;
	[tilespmem:s21+$0x280] =	vst v9;
	v9 =	vpop (erf)  }
0x35: {  	s24 =	sor.u32 $0x300, s23;
	[tilespmem:s21+$0x0] =	vst v9;
	s21 =	sadd.s32 $0x10, s23;
	v9 =	vpop (erf)  }
0x36: {  	s13 =	sand.u32 $0x1F80, s13;
	s22 =	sor.u32 $0x10, s22;
	s23 =	sor.u32 $0x380, s23;
	[tilespmem:s24+$0x2000] =	vst v9;
	v9 =	vpop (erf)  }
0x37: {  	[tilespmem:s23+$0x2000] =	vst v9;
	s23 =	sor.u32 s22, s13;
	s13 =	smov.u32 s17  }
0x38: {  	v9 =	vld [tilespmem:s23+$0x0];
	_ =	sdelay $0x4  }
0x39: {  	v10 =	vsub.f32 v9, v6;
	v11 =	vsub.f32 v9, v1  }
0x3a: {  	v12 =	vsub.f32 v9, v7;
	v13 =	vsub.f32 v9, v8  }
0x3b: {  	v14 =	vsub.f32 v9, v2;
	v15 =	vsub.f32 v9, v5;
	v10 =	vmul.f32 $1.442695020e+00, v10  }
0x3c: {  	v16 =	vsub.f32 v9, v3;
	v12 =	vmul.f32 $1.442695020e+00, v12;
	v13 =	vmul.f32 $1.442695020e+00, v13  }
0x3d: {  	v9 =	vsub.f32 v9, v4;
	v14 =	vmul.f32 $1.442695020e+00, v14;
	(erf) = vpow2.f32 v10  }
0x3e: {  	v10 =	vmul.f32 $1.442695020e+00, v11;
	(erf) = vpow2.f32 v12  }
0x3f: {  	v11 =	vmul.f32 $1.442695020e+00, v15;
	(erf) = vpow2.f32 v13  }
0x40: {  	v12 =	vmul.f32 $1.442695020e+00, v16;
	(erf) = vpow2.f32 v14  }
0x41: {  	v9 =	vmul.f32 $1.442695020e+00, v9;
	(erf) = vpow2.f32 v11  }
0x42: {  	(erf) = vpow2.f32 v10  }
0x43: {  	(erf) = vpow2.f32 v12  }
0x44: {  	(erf) = vpow2.f32 v9;
	_ =	sdelay $0x1  }
0x45: {  	v9 =	vpop (erf)  }
0x46: {  	v12 =	vadd.f32 $1.000000000e+00, v9;
	v10 =	vpop (erf)  }
0x47: {  	v13 =	vadd.f32 $1.000000000e+00, v10;
	v11 =	vpop (erf)  }
0x48: {  	v11 =	vadd.f32 $1.000000000e+00, v11;
	(erf) = vrcp.f32 v12;
	v9 =	vpop (erf)  }
0x49: {  	v14 =	vadd.f32 $1.000000000e+00, v9;
	(erf) = vrcp.f32 v13;
	v10 =	vpop (erf)  }
0x4a: {  	v13 =	vadd.f32 $1.000000000e+00, v10;
	v12 =	vpop (erf);
	(erf) = vrcp.f32 v11  }
0x4b: {  	v11 =	vadd.f32 $1.000000000e+00, v12;
	(erf) = vrcp.f32 v14;
	v9 =	vpop (erf)  }
0x4c: {  	v9 =	vadd.f32 $1.000000000e+00, v9;
	(erf) = vrcp.f32 v13;
	v10 =	vpop (erf)  }
0x4d: {  	v10 =	vadd.f32 $1.000000000e+00, v10;
	(erf) = vrcp.f32 v11  }
0x4e: {  	(erf) = vrcp.f32 v9  }
0x4f: {  	(erf) = vrcp.f32 v10;
	_ =	sdelay $0x1  }
0x50: {  	s20 =	sor.u32 s22, s20;
	v9 =	vpop (erf)  }
0x51: {  	[tilespmem:s20+$0x0] =	vst v9;
	v9 =	vpop (erf)  }
0x52: {  	[tilespmem:s20+$0x100] =	vst v9;
	v9 =	vpop (erf)  }
0x53: {  	[tilespmem:s20+$0x180] =	vst v9;
	v9 =	vpop (erf)  }
0x54: {  	[tilespmem:s20+$0x200] =	vst v9;
	v9 =	vpop (erf)  }
0x55: {  	[tilespmem:s20+$0x280] =	vst v9;
	v9 =	vpop (erf)  }
0x56: {  	[tilespmem:s20+$0x80] =	vst v9;
	s20 =	sor.u32 $0x300, s21;
	v9 =	vpop (erf)  }
0x57: {  	[tilespmem:s20+$0x2000] =	vst v9;
	s20 =	sor.u32 $0x380, s21;
	v9 =	vpop (erf)  }
0x58: {  	[tilespmem:s20+$0x2000] =	vst v9  }
0x59: {  	v9 =	vld [tilespmem:s18+$0x0];
	_ =	sdelay $0x4  }
0x5a: {  	v10 =	vsub.f32 v9, v7;
	v11 =	vsub.f32 v9, v2  }
0x5b: {  	v12 =	vsub.f32 v9, v6;
	v13 =	vsub.f32 v9, v1  }
0x5c: {  	v14 =	vsub.f32 v9, v8;
	v15 =	vsub.f32 v9, v5;
	v11 =	vmul.f32 $1.442695020e+00, v11  }
0x5d: {  	v16 =	vsub.f32 v9, v3;
	v12 =	vmul.f32 $1.442695020e+00, v12;
	v13 =	vmul.f32 $1.442695020e+00, v13  }
0x5e: {  	v9 =	vsub.f32 v9, v4;
	v10 =	vmul.f32 $1.442695020e+00, v10;
	(erf) = vpow2.f32 v11  }
0x5f: {  	v11 =	vmul.f32 $1.442695020e+00, v14;
	(erf) = vpow2.f32 v13  }
0x60: {  	v13 =	vmul.f32 $1.442695020e+00, v15;
	(erf) = vpow2.f32 v10  }
0x61: {  	v10 =	vmul.f32 $1.442695020e+00, v16;
	(erf) = vpow2.f32 v11  }
0x62: {  	v9 =	vmul.f32 $1.442695020e+00, v9;
	(erf) = vpow2.f32 v13  }
0x63: {  	(erf) = vpow2.f32 v12  }
0x64: {  	(erf) = vpow2.f32 v10  }
0x65: {  	(erf) = vpow2.f32 v9;
	_ =	sdelay $0x1  }
0x66: {  	v9 =	vpop (erf)  }
0x67: {  	v9 =	vadd.f32 $1.000000000e+00, v9;
	v10 =	vpop (erf)  }
0x68: {  	v13 =	vadd.f32 $1.000000000e+00, v10;
	v11 =	vpop (erf)  }
0x69: {  	v11 =	vadd.f32 $1.000000000e+00, v11;
	v12 =	vpop (erf);
	(erf) = vrcp.f32 v9  }
0x6a: {  	v14 =	vadd.f32 $1.000000000e+00, v12;
	(erf) = vrcp.f32 v13;
	v10 =	vpop (erf)  }
.Ltmp0:
0x6b: {  	v10 =	vadd.f32 $1.000000000e+00, v10;
	v12 =	vpop (erf);
	(erf) = vrcp.f32 v11;
	(pc) =	sbr.rel @p1 .LBB2_3-.Ltmp0, $4  }
0x6c: {  	v11 =	vadd.f32 $1.000000000e+00, v12;
	(erf) = vrcp.f32 v14;
	v9 =	vpop (erf)  }
0x6d: {  	v12 =	vadd.f32 $1.000000000e+00, v9;
	(erf) = vrcp.f32 v10;
	v9 =	vpop (erf)  }
0x6e: {  	v9 =	vadd.f32 $1.000000000e+00, v9;
	(erf) = vrcp.f32 v11  }
0x6f: {  	s16 =	sadd.s32 $0x1, s16;
	s17 =	sadd.s32 $0x20, s17;
	s18 =	sadd.s32 $0x20, s18;
	(erf) = vrcp.f32 v12  }
0x70: {  	s14 =	sand.u32 $0xFC00, s12;
	(erf) = vrcp.f32 v9  }
0x71: {  	s16 =	sand.u32 $0x60, s13;
	s14 =	sadd.s32 $0x2000, s14  }
0x72: {  	s17 =	sor.u32 s16, s14;
	v9 =	vpop (erf)  }
0x73: {  	[tilespmem:s17+$0x200] =	vst v9;
	v9 =	vpop (erf)  }
0x74: {  	[tilespmem:s17+$0x80] =	vst v9;
	v9 =	vpop (erf)  }
0x75: {  	s15 =	sand.u32 $0x3, s15;
	[tilespmem:s17+$0x100] =	vst v9;
	v9 =	vpop (erf)  }
0x76: {  	s15 =	sshll.u32 s15, $0x5;
	[tilespmem:s17+$0x180] =	vst v9;
	v9 =	vpop (erf)  }
0x77: {  	s25 =	sadd.s32 s15, s12;
	[tilespmem:s17+$0x280] =	vst v9;
	v9 =	vpop (erf)  }
0x78: {  	s15 =	sor.u32 $0x300, s25;
	[tilespmem:s17+$0x0] =	vst v9;
	v9 =	vpop (erf)  }
0x79: {  	s28 =	sand.u32 $0x1F80, s13;
	s16 =	sor.u32 $0x10, s16;
	s26 =	sor.u32 $0x380, s25;
	[tilespmem:s15+$0x2000] =	vst v9;
	v9 =	vpop (erf)  }
0x7a: {  	s13 =	sor.u32 s16, s28;
	[tilespmem:s26+$0x2000] =	vst v9  }
0x7b: {  	v9 =	vld [tilespmem:s13+$0x0];
	_ =	sdelay $0x4  }
0x7c: {  	v6 =	vsub.f32 v9, v6  }
0x7d: {  	v7 =	vsub.f32 v9, v7  }
0x7e: {  	v6 =	vmul.f32 $1.442695020e+00, v6  }
0x7f: {  	v7 =	vmul.f32 $1.442695020e+00, v7  }
0x80: {  	v8 =	vsub.f32 v9, v8;
	(erf) = vpow2.f32 v6  }
0x81: {  	v2 =	vsub.f32 v9, v2;
	(erf) = vpow2.f32 v7  }
0x82: {  	v5 =	vsub.f32 v9, v5;
	v8 =	vmul.f32 $1.442695020e+00, v8  }
0x83: {  	v1 =	vsub.f32 v9, v1;
	v2 =	vmul.f32 $1.442695020e+00, v2  }
0x84: {  	v3 =	vsub.f32 v9, v3;
	v5 =	vmul.f32 $1.442695020e+00, v5;
	(erf) = vpow2.f32 v8  }
0x85: {  	v1 =	vmul.f32 $1.442695020e+00, v1;
	(erf) = vpow2.f32 v2  }
0x86: {  	v2 =	vmul.f32 $1.442695020e+00, v3;
	(erf) = vpow2.f32 v5  }
0x87: {  	v4 =	vsub.f32 v9, v4;
	_ =	sdelay $0x1  }
0x88: {  	v3 =	vmul.f32 $1.442695020e+00, v4;
	(erf) = vpow2.f32 v1;
	v1 =	vpop (erf)  }
0x89: {  	(erf) = vpow2.f32 v2;
	v1 =	vadd.f32 $1.000000000e+00, v1;
	v2 =	vpop (erf)  }
0x8a: {  	(erf) = vpow2.f32 v3;
	v2 =	vadd.f32 $1.000000000e+00, v2;
	_ =	sdelay $0x1  }
0x8b: {  	v3 =	vpop (erf)  }
0x8c: {  	(erf) = vrcp.f32 v1;
	v1 =	vpop (erf)  }
0x8d: {  	(erf) = vrcp.f32 v2;
	v1 =	vadd.f32 $1.000000000e+00, v1;
	v2 =	vpop (erf)  }
0x8e: {  	v3 =	vadd.f32 $1.000000000e+00, v3;
	v2 =	vadd.f32 $1.000000000e+00, v2;
	_ =	sdelay $0x1  }
0x8f: {  	(erf) = vrcp.f32 v3;
	v4 =	vpop (erf)  }
0x90: {  	v3 =	vadd.f32 $1.000000000e+00, v4;
	(erf) = vrcp.f32 v1;
	v1 =	vpop (erf)  }
0x91: {  	(erf) = vrcp.f32 v2;
	v1 =	vadd.f32 $1.000000000e+00, v1;
	v2 =	vpop (erf)  }
0x92: {  	(erf) = vrcp.f32 v3;
	v2 =	vadd.f32 $1.000000000e+00, v2  }
0x93: {  	(erf) = vrcp.f32 v1  }
0x94: {  	(erf) = vrcp.f32 v2;
	_ =	sdelay $0x1  }
0x95: {  	s29 =	sor.u32 s16, s14;
	v1 =	vpop (erf)  }
0x96: {  	[tilespmem:s29+$0x0] =	vst v1;
	v1 =	vpop (erf)  }
0x97: {  	[tilespmem:s29+$0x100] =	vst v1;
	v1 =	vpop (erf)  }
0x98: {  	[tilespmem:s29+$0x180] =	vst v1;
	v1 =	vpop (erf)  }
0x99: {  	[tilespmem:s29+$0x200] =	vst v1;
	v1 =	vpop (erf)  }
0x9a: {  	s12 =	sadd.s32 $0x10, s25;
	[tilespmem:s29+$0x280] =	vst v1;
	v1 =	vpop (erf)  }
0x9b: {  	s30 =	sor.u32 $0x300, s12;
	[tilespmem:s29+$0x80] =	vst v1;
	v1 =	vpop (erf)  }
0x9c: {  	s11 =	sshll.u32 s11, $0xA;
	s12 =	sor.u32 $0x380, s12;
	[tilespmem:s30+$0x2000] =	vst v1;
	v1 =	vpop (erf)  }
0x9d: {  	s31 =	sadd.s32 s4, s11;
	[tilespmem:s12+$0x2000] =	vst v1;
	s12 =	simm.s32 $0x0  }
0x9e: {  	[hbm4b:s31+s12] =	stream.linear.scatter [tilespmem:s9], [sflag:$0x1], $0x10000, $0x38;
	[tilespmem:$0x12000] =	vst v63  }
0x9f: {  	_ =	swait.ge [sflag:s8], $0x10000  }
0xa0: {  	[sflag:s8] =	ssyncset.done $0x0  }
0xa1: {  	[sflag:s8] =	ssyncadd.s32 $0xFFFF0000  }
0xa2: {  	v8 =	vld [tilespmem:s12+$0x0];
	_ =	sdelay $0x2  }
0xa3: {  	v2 =	vbroadcast v0, $0xC  }
0xa4: {  	v1 =	vbroadcast v0, $0x9  }
0xa5: {  	v6 =	vbroadcast v0, $0xA;
	v7 =	vbroadcast v0, $0xB;
	v9 =	vsub.f32 v8, v2  }
0xa6: {  	v5 =	vbroadcast v0, $0x8;
	v4 =	vbroadcast v0, $0xD;
	v10 =	vsub.f32 v8, v1  }
0xa7: {  	v3 =	vbroadcast v0, $0xE;
	v11 =	vsub.f32 v8, v6;
	v9 =	vmul.f32 $1.442695020e+00, v9  }
0xa8: {  	v0 =	vbroadcast v0, $0xF;
	v12 =	vsub.f32 v8, v7;
	v10 =	vmul.f32 $1.442695020e+00, v10  }
0xa9: {  	v11 =	vmul.f32 $1.442695020e+00, v11;
	(erf) = vpow2.f32 v9  }
0xaa: {  	v12 =	vmul.f32 $1.442695020e+00, v12;
	(erf) = vpow2.f32 v10  }
0xab: {  	v13 =	vsub.f32 v8, v4;
	v9 =	vsub.f32 v8, v5;
	(erf) = vpow2.f32 v11  }
0xac: {  	v10 =	vsub.f32 v8, v3;
	v8 =	vsub.f32 v8, v0;
	(erf) = vpow2.f32 v12  }
0xad: {  	v13 =	vmul.f32 $1.442695020e+00, v13  }
0xae: {  	v9 =	vmul.f32 $1.442695020e+00, v9;
	v8 =	vmul.f32 $1.442695020e+00, v8  }
0xaf: {  	v10 =	vmul.f32 $1.442695020e+00, v10;
	(erf) = vpow2.f32 v13  }
0xb0: {  	(erf) = vpow2.f32 v9  }
0xb1: {  	(erf) = vpow2.f32 v10  }
0xb2: {  	(erf) = vpow2.f32 v8;
	v8 =	vpop (erf)  }
0xb3: {  	v9 =	vpop (erf)  }
0xb4: {  	v8 =	vadd.f32 $1.000000000e+00, v8;
	v9 =	vadd.f32 $1.000000000e+00, v9;
	v10 =	vpop (erf)  }
0xb5: {  	v11 =	vpop (erf)  }
0xb6: {  	(erf) = vrcp.f32 v8;
	v8 =	vadd.f32 $1.000000000e+00, v11  }
0xb7: {  	v10 =	vadd.f32 $1.000000000e+00, v10  }
0xb8: {  	(erf) = vrcp.f32 v9;
	v9 =	vpop (erf)  }
0xb9: {  	v9 =	vadd.f32 $1.000000000e+00, v9;
	v11 =	vpop (erf);
	(erf) = vrcp.f32 v10  }
0xba: {  	v10 =	vadd.f32 $1.000000000e+00, v11;
	(erf) = vrcp.f32 v8;
	v8 =	vpop (erf)  }
0xbb: {  	s18 =	simm.s32 $0x20;
	v11 =	vadd.f32 $1.000000000e+00, v8;
	(erf) = vrcp.f32 v9;
	v8 =	vpop (erf)  }
0xbc: {  	s19 =	simm.s32 $0x0;
	s14 =	simm.s32 $0x0;
	s16 =	simm.s32 $0x1;
	(erf) = vrcp.f32 v10;
	v8 =	vadd.f32 $1.000000000e+00, v8  }
0xbd: {  	s17 =	simm.s32 $0x20;
	s15 =	simm.s32 $0x0;
	s13 =	simm.s32 $0x0;
	(erf) = vrcp.f32 v11  }
.LBB2_5:
0xbe: {  	s14 =	sadd.s32 $0x2, s14;
	s20 =	sand.u32 $0xFC00, s12;
	s19 =	sadd.s32 $0x100, s19;
	(erf) = vrcp.f32 v8  }
0xbf: {  	s22 =	sand.u32 $0x60, s13;
	p1 =	slt.u32 s14, $0x1FE;
	s20 =	sadd.s32 $0x2000, s20  }
0xc0: {  	s21 =	sor.u32 s22, s20;
	v8 =	vpop (erf)  }
0xc1: {  	[tilespmem:s21+$0x200] =	vst v8;
	v8 =	vpop (erf)  }
0xc2: {  	[tilespmem:s21+$0x80] =	vst v8;
	v8 =	vpop (erf)  }
0xc3: {  	s23 =	sand.u32 $0x3, s15;
	s15 =	smov.u32 s16;
	[tilespmem:s21+$0x100] =	vst v8;
	v8 =	vpop (erf)  }
0xc4: {  	s23 =	sshll.u32 s23, $0x5;
	[tilespmem:s21+$0x180] =	vst v8;
	v8 =	vpop (erf)  }
0xc5: {  	s23 =	sadd.s32 s23, s12;
	s12 =	smov.u32 s19;
	[tilespmem:s21+$0x280] =	vst v8;
	v8 =	vpop (erf)  }
0xc6: {  	s24 =	sor.u32 $0x300, s23;
	[tilespmem:s21+$0x0] =	vst v8;
	s21 =	sadd.s32 $0x10, s23;
	v8 =	vpop (erf)  }
0xc7: {  	s13 =	sand.u32 $0x1F80, s13;
	s22 =	sor.u32 $0x10, s22;
	s23 =	sor.u32 $0x380, s23;
	[tilespmem:s24+$0x2000] =	vst v8;
	v8 =	vpop (erf)  }
0xc8: {  	[tilespmem:s23+$0x2000] =	vst v8;
	s23 =	sor.u32 s22, s13;
	s13 =	smov.u32 s17  }
0xc9: {  	v8 =	vld [tilespmem:s23+$0x0];
	_ =	sdelay $0x4  }
0xca: {  	v9 =	vsub.f32 v8, v5;
	v10 =	vsub.f32 v8, v1  }
0xcb: {  	v11 =	vsub.f32 v8, v6;
	v12 =	vsub.f32 v8, v7  }
0xcc: {  	v13 =	vsub.f32 v8, v2;
	v14 =	vsub.f32 v8, v4;
	v9 =	vmul.f32 $1.442695020e+00, v9  }
0xcd: {  	v15 =	vsub.f32 v8, v3;
	v11 =	vmul.f32 $1.442695020e+00, v11;
	v12 =	vmul.f32 $1.442695020e+00, v12  }
0xce: {  	v8 =	vsub.f32 v8, v0;
	v13 =	vmul.f32 $1.442695020e+00, v13;
	(erf) = vpow2.f32 v9  }
0xcf: {  	v9 =	vmul.f32 $1.442695020e+00, v10;
	(erf) = vpow2.f32 v11  }
0xd0: {  	v10 =	vmul.f32 $1.442695020e+00, v14;
	(erf) = vpow2.f32 v12  }
0xd1: {  	v11 =	vmul.f32 $1.442695020e+00, v15;
	(erf) = vpow2.f32 v13  }
0xd2: {  	v8 =	vmul.f32 $1.442695020e+00, v8;
	(erf) = vpow2.f32 v10  }
0xd3: {  	(erf) = vpow2.f32 v9  }
0xd4: {  	(erf) = vpow2.f32 v11  }
0xd5: {  	(erf) = vpow2.f32 v8;
	_ =	sdelay $0x1  }
0xd6: {  	v8 =	vpop (erf)  }
0xd7: {  	v11 =	vadd.f32 $1.000000000e+00, v8;
	v9 =	vpop (erf)  }
0xd8: {  	v12 =	vadd.f32 $1.000000000e+00, v9;
	v10 =	vpop (erf)  }
0xd9: {  	v10 =	vadd.f32 $1.000000000e+00, v10;
	(erf) = vrcp.f32 v11;
	v8 =	vpop (erf)  }
0xda: {  	v13 =	vadd.f32 $1.000000000e+00, v8;
	(erf) = vrcp.f32 v12;
	v9 =	vpop (erf)  }
0xdb: {  	v12 =	vadd.f32 $1.000000000e+00, v9;
	v11 =	vpop (erf);
	(erf) = vrcp.f32 v10  }
0xdc: {  	v10 =	vadd.f32 $1.000000000e+00, v11;
	(erf) = vrcp.f32 v13;
	v8 =	vpop (erf)  }
0xdd: {  	v8 =	vadd.f32 $1.000000000e+00, v8;
	(erf) = vrcp.f32 v12;
	v9 =	vpop (erf)  }
0xde: {  	v9 =	vadd.f32 $1.000000000e+00, v9;
	(erf) = vrcp.f32 v10  }
0xdf: {  	(erf) = vrcp.f32 v8  }
0xe0: {  	(erf) = vrcp.f32 v9;
	_ =	sdelay $0x1  }
0xe1: {  	s20 =	sor.u32 s22, s20;
	v8 =	vpop (erf)  }
0xe2: {  	[tilespmem:s20+$0x0] =	vst v8;
	v8 =	vpop (erf)  }
0xe3: {  	[tilespmem:s20+$0x100] =	vst v8;
	v8 =	vpop (erf)  }
0xe4: {  	[tilespmem:s20+$0x180] =	vst v8;
	v8 =	vpop (erf)  }
0xe5: {  	[tilespmem:s20+$0x200] =	vst v8;
	v8 =	vpop (erf)  }
0xe6: {  	[tilespmem:s20+$0x280] =	vst v8;
	v8 =	vpop (erf)  }
0xe7: {  	[tilespmem:s20+$0x80] =	vst v8;
	s20 =	sor.u32 $0x300, s21;
	v8 =	vpop (erf)  }
0xe8: {  	[tilespmem:s20+$0x2000] =	vst v8;
	s20 =	sor.u32 $0x380, s21;
	v8 =	vpop (erf)  }
0xe9: {  	[tilespmem:s20+$0x2000] =	vst v8  }
0xea: {  	v8 =	vld [tilespmem:s18+$0x0];
	_ =	sdelay $0x4  }
0xeb: {  	v9 =	vsub.f32 v8, v6;
	v10 =	vsub.f32 v8, v2  }
0xec: {  	v11 =	vsub.f32 v8, v5;
	v12 =	vsub.f32 v8, v1  }
0xed: {  	v13 =	vsub.f32 v8, v7;
	v14 =	vsub.f32 v8, v4;
	v10 =	vmul.f32 $1.442695020e+00, v10  }
0xee: {  	v15 =	vsub.f32 v8, v3;
	v11 =	vmul.f32 $1.442695020e+00, v11;
	v12 =	vmul.f32 $1.442695020e+00, v12  }
0xef: {  	v8 =	vsub.f32 v8, v0;
	v9 =	vmul.f32 $1.442695020e+00, v9;
	(erf) = vpow2.f32 v10  }
0xf0: {  	v10 =	vmul.f32 $1.442695020e+00, v13;
	(erf) = vpow2.f32 v12  }
0xf1: {  	v12 =	vmul.f32 $1.442695020e+00, v14;
	(erf) = vpow2.f32 v9  }
0xf2: {  	v9 =	vmul.f32 $1.442695020e+00, v15;
	(erf) = vpow2.f32 v10  }
0xf3: {  	v8 =	vmul.f32 $1.442695020e+00, v8;
	(erf) = vpow2.f32 v12  }
0xf4: {  	(erf) = vpow2.f32 v11  }
0xf5: {  	(erf) = vpow2.f32 v9  }
0xf6: {  	(erf) = vpow2.f32 v8;
	_ =	sdelay $0x1  }
0xf7: {  	v8 =	vpop (erf)  }
0xf8: {  	v8 =	vadd.f32 $1.000000000e+00, v8;
	v9 =	vpop (erf)  }
0xf9: {  	v12 =	vadd.f32 $1.000000000e+00, v9;
	v10 =	vpop (erf)  }
0xfa: {  	v10 =	vadd.f32 $1.000000000e+00, v10;
	v11 =	vpop (erf);
	(erf) = vrcp.f32 v8  }
0xfb: {  	v13 =	vadd.f32 $1.000000000e+00, v11;
	(erf) = vrcp.f32 v12;
	v9 =	vpop (erf)  }
.Ltmp1:
0xfc: {  	v9 =	vadd.f32 $1.000000000e+00, v9;
	v11 =	vpop (erf);
	(erf) = vrcp.f32 v10;
	(pc) =	sbr.rel @p1 .LBB2_5-.Ltmp1, $4  }
0xfd: {  	v10 =	vadd.f32 $1.000000000e+00, v11;
	(erf) = vrcp.f32 v13;
	v8 =	vpop (erf)  }
0xfe: {  	v11 =	vadd.f32 $1.000000000e+00, v8;
	(erf) = vrcp.f32 v9;
	v8 =	vpop (erf)  }
0xff: {  	v8 =	vadd.f32 $1.000000000e+00, v8;
	(erf) = vrcp.f32 v10  }
0x100: {  	s16 =	sadd.s32 $0x1, s16;
	s17 =	sadd.s32 $0x20, s17;
	s18 =	sadd.s32 $0x20, s18;
	(erf) = vrcp.f32 v11  }
0x101: {  	s14 =	sand.u32 $0xFC00, s12;
	(erf) = vrcp.f32 v8  }
0x102: {  	s16 =	sand.u32 $0x60, s13;
	s14 =	sadd.s32 $0x2000, s14  }
0x103: {  	s17 =	sor.u32 s16, s14;
	v38 =	vpop (erf)  }
0x104: {  	[tilespmem:s17+$0x200] =	vst v38;
	v39 =	vpop (erf)  }
0x105: {  	[tilespmem:s17+$0x80] =	vst v39;
	v40 =	vpop (erf)  }
0x106: {  	s15 =	sand.u32 $0x3, s15;
	[tilespmem:s17+$0x100] =	vst v40;
	v41 =	vpop (erf)  }
0x107: {  	s15 =	sshll.u32 s15, $0x5;
	[tilespmem:s17+$0x180] =	vst v41;
	v42 =	vpop (erf)  }
0x108: {  	s26 =	sadd.s32 s15, s12;
	[tilespmem:s17+$0x280] =	vst v42;
	v43 =	vpop (erf)  }
0x109: {  	s15 =	sor.u32 $0x300, s26;
	[tilespmem:s17+$0x0] =	vst v43;
	v44 =	vpop (erf)  }
0x10a: {  	s29 =	sand.u32 $0x1F80, s13;
	s16 =	sor.u32 $0x10, s16;
	s28 =	sor.u32 $0x380, s26;
	[tilespmem:s15+$0x2000] =	vst v44;
	v45 =	vpop (erf)  }
0x10b: {  	s13 =	sor.u32 s16, s29;
	[tilespmem:s28+$0x2000] =	vst v45  }
0x10c: {  	v8 =	vld [tilespmem:s13+$0x0];
	_ =	sdelay $0x4  }
0x10d: {  	v5 =	vsub.f32 v8, v5  }
0x10e: {  	v6 =	vsub.f32 v8, v6  }
0x10f: {  	v7 =	vsub.f32 v8, v7;
	v5 =	vmul.f32 $1.442695020e+00, v5  }
0x110: {  	v2 =	vsub.f32 v8, v2;
	v6 =	vmul.f32 $1.442695020e+00, v6  }
0x111: {  	v4 =	vsub.f32 v8, v4;
	v7 =	vmul.f32 $1.442695020e+00, v7;
	(erf) = vpow2.f32 v5  }
0x112: {  	v1 =	vsub.f32 v8, v1;
	v2 =	vmul.f32 $1.442695020e+00, v2;
	(erf) = vpow2.f32 v6  }
0x113: {  	v3 =	vsub.f32 v8, v3;
	v4 =	vmul.f32 $1.442695020e+00, v4;
	(erf) = vpow2.f32 v7  }
0x114: {  	v0 =	vsub.f32 v8, v0;
	v1 =	vmul.f32 $1.442695020e+00, v1;
	(erf) = vpow2.f32 v2  }
0x115: {  	v46 =	vmul.f32 $1.442695020e+00, v3;
	(erf) = vpow2.f32 v4  }
0x116: {  	v0 =	vmul.f32 $1.442695020e+00, v0;
	(erf) = vpow2.f32 v1  }
0x117: {  	(erf) = vpow2.f32 v46  }
0x118: {  	(erf) = vpow2.f32 v0;
	_ =	sdelay $0x1  }
0x119: {  	v47 =	vpop (erf)  }
0x11a: {  	v0 =	vadd.f32 $1.000000000e+00, v47;
	v48 =	vpop (erf)  }
0x11b: {  	v1 =	vadd.f32 $1.000000000e+00, v48;
	v49 =	vpop (erf)  }
0x11c: {  	v2 =	vadd.f32 $1.000000000e+00, v49;
	(erf) = vrcp.f32 v0;
	v50 =	vpop (erf)  }
0x11d: {  	v0 =	vadd.f32 $1.000000000e+00, v50;
	(erf) = vrcp.f32 v1;
	v51 =	vpop (erf)  }
0x11e: {  	v1 =	vadd.f32 $1.000000000e+00, v51;
	v52 =	vpop (erf);
	(erf) = vrcp.f32 v2  }
0x11f: {  	v53 =	vadd.f32 $1.000000000e+00, v52;
	(erf) = vrcp.f32 v0;
	v54 =	vpop (erf)  }
0x120: {  	v0 =	vadd.f32 $1.000000000e+00, v54;
	(erf) = vrcp.f32 v1;
	v55 =	vpop (erf)  }
0x121: {  	v1 =	vadd.f32 $1.000000000e+00, v55;
	(erf) = vrcp.f32 v53  }
0x122: {  	(erf) = vrcp.f32 v0  }
0x123: {  	(erf) = vrcp.f32 v1;
	_ =	sdelay $0x1  }
0x124: {  	s30 =	sor.u32 s16, s14;
	v56 =	vpop (erf)  }
0x125: {  	[tilespmem:s30+$0x0] =	vst v56;
	v57 =	vpop (erf)  }
0x126: {  	[tilespmem:s30+$0x100] =	vst v57;
	v58 =	vpop (erf)  }
0x127: {  	[tilespmem:s30+$0x180] =	vst v58;
	v59 =	vpop (erf)  }
0x128: {  	[tilespmem:s30+$0x200] =	vst v59;
	v60 =	vpop (erf)  }
0x129: {  	s12 =	sadd.s32 $0x10, s26;
	[tilespmem:s30+$0x280] =	vst v60;
	v61 =	vpop (erf)  }
0x12a: {  	s31 =	sor.u32 $0x300, s12;
	[tilespmem:s30+$0x80] =	vst v61;
	v62 =	vpop (erf)  }
0x12b: {  	s12 =	sor.u32 $0x380, s12;
	[tilespmem:s31+$0x2000] =	vst v62;
	v63 =	vpop (erf)  }
.Ltmp2:
0x12c: {  	s11 =	sadd.s32 s11, s6;
	[tilespmem:s12+$0x2000] =	vst v63;
	(pc) =	sbr.rel @p0 .LBB2_2-.Ltmp2, $4  }
0x12d: {  	[hbm4b:s11+s2] =	stream.linear.scatter [tilespmem:s9], [sflag:$0x1], $0x10000, $0x38;
	[tilespmem:$0x12000] =	vst v63  }
0x12e: {  	_ =	swait.ge [sflag:s8], $0x10000  }
0x12f: {  	[sflag:s8] =	ssyncset.done $0x0  }
0x130: {  	p1 =	por $0x0, $0x0;
	s11 =	simm.s32 $0x10;
	[sflag:s8] =	ssyncadd.s32 $0xFFFF0000  }
0x131: {  	s10 =	sadd.s32 $0x1, s10  }
0x132: {  	p0 =	sne.s32 s10, s7  }
.Ltmp3:
0x133: {  	_ = 	snop;
	(pc) =	sbr.rel @p0 .LBB2_1-.Ltmp3, $1  }
0x134: {  	_ =	sdelay $0x3  }
0x135: {  	_ =	sfence.sel $0x180000  }
0x136: {  	[bflag:$0x0] =	sbarrier.arrive $0xFFFF  }
0x137: {  	p0 =	sne.s32 s3, $0x0;
	_ =	strace $0x90000047  }
0x138: {  	s0 =	sadd.s32 @!p0 $0x100000, s0;
	[bflag:$0x2] =	sbarrier.arrive $0xFFFF  }
0x139: {  	[sflag:s0] =	ssyncadd.tile.s32 @!p0 $0x1;
	_ =	shalt  }
.Lfunc_end2:
_tile_overlayer_lowered:
.L_overlay_start_2:
0x13a: {  	(tag) =	ssettag $0x2  }
0x13b: {  	s0 =	rddreg [dreg:$0x0];
	s2 =	stileid.u32  }
0x13c: {  	s1 =	rddreg [dreg:$0x1];
	p0 =	sne.s32 s2, $0x0  }
0x13d: {  	s3 =	rddreg [dreg:$0x2];
	[bflag:$0x3] =	sbarrier.arrive $0xFFFF;
	s2 =	simm.s32 @!p0 $0x1C01  }
0x13e: {  	[timem:s3], [sflag:s2] =	dma.local @!p0 [hbm:s0], s1  }
0x13f: {  	s0 =	simm.s32 @!p0 $0x1  }
0x140: {  	_ =	swait.ge @!p0 [sflag:s0], s1  }
0x141: {  	s1 =	ssub.s32 @!p0 $0x0, s1;
	[sflag:s0] =	ssyncset.done @!p0 $0x0  }
0x142: {  	[sflag:s0] =	ssyncadd.s32 @!p0 s1  }
0x143: {  	[bflag:$0x3] =	sbarrier.arrive $0xFFFF  }
0x144: {  	_ =	shalt  }

</sc_bundles>
